<compile_context>
chip_gen: v7x
topology: tpu7x:2x2x1
jax: 0.10.2.dev20260603
libtpu: 0.0.44.dev20260713+nightly
codegen_flags: <defaults>
</compile_context>

<pallas_src>
import functools

import jax
import jax.numpy as jnp
from jax import lax
from jax.experimental import pallas as pl
from jax.experimental.pallas import tpu as pltpu
from jax.experimental.pallas import tpu_sc as plsc

_NC = 2
_NS = 16
_NW = _NC * _NS
_K = 80
_NBUF = 2


@functools.lru_cache(maxsize=None)
def _make_agg(N, E, D):
    EW = -(-E // _NW)
    n_chunks = ((EW + _K - 1) // _K + 1) // 2 * 2
    NP = n_chunks * _K
    NPAD = (N + _NS * 8 - 1) // (_NS * 8) * (_NS * 8)
    zstripe = NPAD // _NS
    stripe = (N // _NS) // 8 * 8
    tail = N - stripe * _NS

    mesh = plsc.VectorSubcoreMesh(core_axis_name="c", subcore_axis_name="s")

    @functools.partial(
        pl.kernel,
        out_type=[
            jax.ShapeDtypeStruct((_NC * N, D), jnp.float32),
            jax.ShapeDtypeStruct((_NW * N,), jnp.float32),
        ],
        mesh=mesh,
        scratch_types=[
            pltpu.VMEM((2, _K), jnp.int32),
            pltpu.VMEM((2, _K), jnp.int32),
            pltpu.VMEM((2, _K, D), jnp.float32),
            pltpu.VMEM((NPAD,), jnp.float32),
            pltpu.VMEM_SHARED((NPAD, D), jnp.float32),
            [pltpu.SemaphoreType.DMA] * 2,
            [pltpu.SemaphoreType.DMA] * 2,
            pltpu.SemaphoreType.DMA,
        ],
        compiler_params=pltpu.CompilerParams(needs_layout_passes=False),
    )
    def agg(src_h, dst_h, x_h, acc_out, deg_out,
            src_v, dst_v, rows_v, deg_v, acc_sh, gsems, isems, ssem):
        i32 = jnp.int32
        cid = lax.axis_index("c")
        sid = lax.axis_index("s")
        wid = sid * i32(_NC) + cid

        def zrow(r, carry):
            for j in range(D // 16):
                rows_v[i32(0), r, pl.ds(i32(j * 16), 16)] = (
                    jnp.zeros((16,), jnp.float32))
            return carry
        lax.fori_loop(i32(0), i32(_K), zrow, i32(0))

        zoff = sid * i32(zstripe)
        nfull, rem = divmod(zstripe, _K)
        for k in range(nfull):
            pltpu.make_async_copy(
                rows_v.at[i32(0)],
                acc_sh.at[pl.ds(zoff + i32(k * _K), _K)], ssem).start()
        if rem:
            pltpu.make_async_copy(
                rows_v.at[i32(0), pl.ds(i32(0), rem)],
                acc_sh.at[pl.ds(zoff + i32(nfull * _K), rem)], ssem).start()
        for k in range(nfull):
            pltpu.make_async_copy(
                rows_v.at[i32(0)],
                acc_sh.at[pl.ds(zoff + i32(k * _K), _K)], ssem).wait()
        if rem:
            pltpu.make_async_copy(
                rows_v.at[i32(0), pl.ds(i32(0), rem)],
                acc_sh.at[pl.ds(zoff + i32(nfull * _K), rem)], ssem).wait()

        def zbody(i, carry):
            deg_v[pl.ds(i * i32(16), 16)] = jnp.zeros((16,), jnp.float32)
            return carry
        lax.fori_loop(i32(0), i32(NPAD // 16), zbody, i32(0))

        plsc.subcore_barrier()

        ones = jnp.ones((16,), jnp.float32)

        def iload(c, p):
            for ref, hbm in ((src_v, src_h), (dst_v, dst_h)):
                pltpu.make_async_copy(hbm.at[wid, c], ref.at[i32(p)],
                                      isems[p]).start()

        def iload_wait(p):
            for ref, hbm in ((src_v, src_h), (dst_v, dst_h)):
                pltpu.make_async_copy(hbm.at[wid, i32(0)], ref.at[i32(p)],
                                      isems[p]).wait()

        def gather(p):
            pltpu.make_async_copy(x_h.at[src_v.at[i32(p)]],
                                  rows_v.at[i32(p)], gsems[p]).start()

        def gather_wait(p):
            pltpu.make_async_copy(x_h.at[src_v.at[i32(0)]],
                                  rows_v.at[i32(p)], gsems[p]).wait()

        iload(i32(0), 0)
        iload_wait(0)
        gather(0)
        iload(i32(1), 1)

        def half(c, p):
            @pl.when(c < i32(n_chunks - 1))
            def _next_gather():
                iload_wait(1 - p)
                gather(1 - p)
            gather_wait(p)
            scat = pltpu.make_async_copy(rows_v.at[i32(p)],
                                         acc_sh.at[dst_v.at[i32(p)]], ssem)
            scat.start(add=True)
            for j in range(_K // 16):
                dvec = dst_v[i32(p), pl.ds(i32(j * 16), 16)]
                plsc.addupdate_scatter(deg_v, [dvec], ones)
            scat.wait()

            @pl.when(c < i32(n_chunks - 2))
            def _next_iload():
                iload(c + i32(2), p)

        def step(s, carry):
            half(s * i32(2), 0)
            half(s * i32(2) + i32(1), 1)
            return carry
        lax.fori_loop(i32(0), i32(n_chunks // 2), step, i32(0))

        plsc.subcore_barrier()

        soff = sid * i32(stripe)
        pltpu.sync_copy(acc_sh.at[pl.ds(soff, stripe)],
                        acc_out.at[pl.ds(cid * i32(N) + soff, stripe)])
        if tail:
            @pl.when(sid == _NS - 1)
            def _out_tail():
                pltpu.sync_copy(
                    acc_sh.at[pl.ds(_NS * stripe, tail)],
                    acc_out.at[pl.ds(cid * i32(N) + i32(_NS * stripe), tail)])
        pltpu.sync_copy(deg_v.at[pl.ds(i32(0), N)],
                        deg_out.at[pl.ds(wid * i32(N), N)])

    return agg, NP, NPAD


def _dense1_body(x_ref, wr_ref, bl_ref, hr_ref):
    hr_ref[...] = jnp.dot(
        x_ref[...], wr_ref[...], preferred_element_type=jnp.float32) + bl_ref[...]


@functools.lru_cache(maxsize=None)
def _make_dense1(N, D, BN):
    def _z(i):
        return jnp.zeros_like(i)

    return pl.pallas_call(
        _dense1_body,
        grid=(N // BN,),
        in_specs=[
            pl.BlockSpec((BN, D), lambda i: (i, _z(i))),
            pl.BlockSpec((D, D), lambda i: (_z(i), _z(i))),
            pl.BlockSpec((1, D), lambda i: (_z(i), _z(i))),
        ],
        out_specs=pl.BlockSpec((BN, D), lambda i: (i, _z(i))),
        out_shape=jax.ShapeDtypeStruct((N, D), jnp.float32),
    )


def _dense_body(acc_ref, deg_ref, hr_ref, wl_ref, wo_ref, bo_ref, out_ref):
    agg_sum = acc_ref[0] + acc_ref[1]
    deg = jnp.sum(deg_ref[...], axis=1, keepdims=True)
    agg = agg_sum * (1.0 / jnp.maximum(deg, 1.0))
    h = jnp.dot(agg, wl_ref[...], preferred_element_type=jnp.float32)
    h = h + hr_ref[...]
    h = jnp.maximum(h, 0.0)
    z = jnp.dot(h, wo_ref[...], preferred_element_type=jnp.float32) + bo_ref[...]
    out_ref[...] = jax.nn.sigmoid(z)


@functools.lru_cache(maxsize=None)
def _make_dense(N, D, C, BN):
    grid = (N // BN,)

    def _z(i):
        return jnp.zeros_like(i)

    return pl.pallas_call(
        _dense_body,
        grid=grid,
        in_specs=[
            pl.BlockSpec((_NC, BN, D), lambda i: (_z(i), i, _z(i))),
            pl.BlockSpec((BN, _NW), lambda i: (i, _z(i))),
            pl.BlockSpec((BN, D), lambda i: (i, _z(i))),
            pl.BlockSpec((D, D), lambda i: (_z(i), _z(i))),
            pl.BlockSpec((D, C), lambda i: (_z(i), _z(i))),
            pl.BlockSpec((1, C), lambda i: (_z(i), _z(i))),
        ],
        out_specs=pl.BlockSpec((BN, C), lambda i: (i, _z(i))),
        out_shape=jax.ShapeDtypeStruct((N, C), jnp.float32),
    )


def kernel(x, edge_index, W_l, b_l, W_r, W_out, b_out):
    N, D = x.shape
    E = edge_index.shape[1]
    C = W_out.shape[0]

    agg_fn, NP, NPAD = _make_agg(N, E, D)

    ei = edge_index.astype(jnp.int32)
    EW = E // _NW
    src = ei[0].reshape(_NW, EW)
    dst = ei[1].reshape(_NW, EW)
    pad = ((0, 0), (0, NP - EW))
    src = jnp.pad(src, pad).reshape(_NW, NP // _K, _K)
    dst = jnp.pad(dst, pad, constant_values=N).reshape(_NW, NP // _K, _K)

    hr = _make_dense1(N, D, 5000)(x, W_r.T, b_l.reshape(1, D))
    acc_flat, deg_flat = agg_fn(src, dst, x)
    acc = acc_flat.reshape(_NC, N, D)
    deg = deg_flat.reshape(_NW, N).T

    out = _make_dense(N, D, C, 5000)(
        acc, deg, hr, W_l.T, W_out.T, b_out.reshape(1, C))
    return out

# --- scband reference (transcript-rebuilt; emitter-appended) ---
"""Pipeline reference for scband-sage-model-44418551775831 (READ-ONLY COPY).

The authoritative reference and input builder live on the scoring server;
editing this copy changes nothing except your own understanding.
"""

import jax, jax.numpy as jnp
import numpy as np
jax.config.update('jax_enable_x64', True)

N, E, D, C = 10000, 320000, 128, 4


def setup_inputs(seed: int = 0) -> dict:
    key = jax.random.key(seed)
    ks = jax.random.split(key, 8)
    x = jax.random.normal(ks[0], (N, D), dtype=jnp.float32)
    edge_index = jax.random.randint(ks[1], (2, E), 0, N, dtype=jnp.int64)
    s = 1.0 / np.sqrt(D)
    W_l = jax.random.uniform(ks[2], (D, D), minval=-s, maxval=s, dtype=jnp.float32)
    b_l = jax.random.uniform(ks[3], (D,), minval=-s, maxval=s, dtype=jnp.float32)
    W_r = jax.random.uniform(ks[4], (D, D), minval=-s, maxval=s, dtype=jnp.float32)
    W_out = jax.random.uniform(ks[5], (C, D), minval=-s, maxval=s, dtype=jnp.float32)
    b_out = jax.random.uniform(ks[6], (C,), minval=-s, maxval=s, dtype=jnp.float32)
    return {"x": x, "edge_index": edge_index, "W_l": W_l, "b_l": b_l, "W_r": W_r, "W_out": W_out, "b_out": b_out}


def reference(x, edge_index, W_l, b_l, W_r, W_out, b_out):
    # PyG SAGEConv (aggr='mean', root_weight=True, normalize=False):
    #   out_i = lin_l(mean_{j->i} x_j) + lin_r(x_i)
    src = edge_index[0]
    dst = edge_index[1]
    msgs = jnp.take(x, src, axis=0)  # gather source node features per edge
    agg_sum = jax.ops.segment_sum(msgs, dst, num_segments=N)  # scatter-add to dst
    deg = jax.ops.segment_sum(jnp.ones((E,), dtype=x.dtype), dst, num_segments=N)
    agg = agg_sum / jnp.clip(deg, 1.0)[:, None]
    h = agg @ W_l.T + b_l + x @ W_r.T  # lin_l has bias, lin_r has no bias
    h = jax.nn.relu(h)
    out = jax.nn.sigmoid(h @ W_out.T + b_out)
    return out

if __name__ == "__main__":
    import jax
    _d = setup_inputs()
    print(jax.jit(kernel)(*tuple(_d.values())))

</pallas_src>

<mosaic_0001>
#map = affine_map<(d0, d1) -> (0, 0, 0)>
#map1 = affine_map<(d0, d1) -> (0, 0)>
#map2 = affine_map<(d0, d1) -> (0)>
module attributes {stable_mosaic.version = 14 : i64} {
  func.func @agg(%arg0: i32, %arg1: i32, %arg2: memref<32x126x80xi32, #tpu.memory_space<hbm>>, %arg3: memref<32x126x80xi32, #tpu.memory_space<hbm>>, %arg4: memref<10000x128xf32, #tpu.memory_space<hbm>>, %arg5: memref<20000x128xf32, #tpu.memory_space<hbm>>, %arg6: memref<320000xf32, #tpu.memory_space<hbm>>, %arg7: memref<2x80xi32, #tpu.memory_space<vmem>>, %arg8: memref<2x80xi32, #tpu.memory_space<vmem>>, %arg9: memref<2x80x128xf32, #tpu.memory_space<vmem>>, %arg10: memref<10112xf32, #tpu.memory_space<vmem>>, %arg11: memref<10112x128xf32, #tpu.memory_space<vmem_shared>>, %arg12: memref<!tpu.dma_semaphore, #tpu.memory_space<semaphore_mem>>, %arg13: memref<!tpu.dma_semaphore, #tpu.memory_space<semaphore_mem>>, %arg14: memref<!tpu.dma_semaphore, #tpu.memory_space<semaphore_mem>>, %arg15: memref<!tpu.dma_semaphore, #tpu.memory_space<semaphore_mem>>, %arg16: memref<!tpu.dma_semaphore, #tpu.memory_space<semaphore_mem>>) attributes {dimension_semantics = [#tpu.dimension_semantics<core_parallel>, #tpu.dimension_semantics<subcore_parallel>], iteration_bounds = array<i64: 2, 16>, scalar_prefetch = 0 : i64, scratch_operands = 10 : i64, tpu.core_type = #tpu.core_type<sc_vector_subcore>, window_params = [{transform_indices = #map}, {transform_indices = #map}, {transform_indices = #map1}, {transform_indices = #map1}, {transform_indices = #map2}]} {
    %mul3A = arith.constant 2 : i32
    %mul3A_0 = arith.muli %arg1, %mul3A : i32
    %add3A = arith.addi %mul3A_0, %arg0 : i32
    %while3A = arith.constant 0 : i32
    %while3A_1 = arith.constant 0 : i32
    %while3A_2 = arith.constant 80 : i32
    %while3A_3 = arith.subi %while3A_2, %while3A_1 : i32
    %while3A_4 = arith.addi %while3A_1, %while3A_3 : i32
    %while3A_5 = arith.constant 1 : i32
    %while3A_6 = arith.divsi %while3A_3, %while3A_5 : i32
    %while3A_7 = arith.muli %while3A_6, %while3A_5 : i32
    %while3A_8 = arith.addi %while3A_1, %while3A_7 : i32
    %while3A_9 = arith.constant 1 : i32
    scf.for %while3A_378 = %while3A_1 to %while3A_8 step %while3A_9  : i32 {
      %broadcast_in_dim3A_379 = arith.constant 0.000000e+00 : f32
      %broadcast_in_dim3A_380 = vector.broadcast %broadcast_in_dim3A_379 : f32 to vector<16xf32>
      %swap3A = arith.constant 0 : i32
      %swap3A_381 = arith.constant 0 : i32
      %swap3A_382 = arith.index_cast %swap3A : i32 to index
      %swap3A_383 = arith.index_cast %while3A_378 : i32 to index
      %swap3A_384 = arith.index_cast %swap3A_381 : i32 to index
      %swap3A_385 = tpu.vector_load %arg9[%swap3A_382, %swap3A_383, %swap3A_384] {strides = array<i32>} : memref<2x80x128xf32, #tpu.memory_space<vmem>>, vector<16xf32>,
      tpu.vector_store %arg9[%swap3A_382, %swap3A_383, %swap3A_384], %broadcast_in_dim3A_380 {strides = array<i32>} : memref<2x80x128xf32, #tpu.memory_space<vmem>>, vector<16xf32>,
      %broadcast_in_dim3A_386 = arith.constant 0.000000e+00 : f32
      %broadcast_in_dim3A_387 = vector.broadcast %broadcast_in_dim3A_386 : f32 to vector<16xf32>
      %swap3A_388 = arith.constant 0 : i32
      %swap3A_389 = arith.constant 16 : i32
      %swap3A_390 = arith.index_cast %swap3A_388 : i32 to index
      %swap3A_391 = arith.index_cast %while3A_378 : i32 to index
      %swap3A_392 = arith.index_cast %swap3A_389 : i32 to index
      %swap3A_393 = tpu.vector_load %arg9[%swap3A_390, %swap3A_391, %swap3A_392] {strides = array<i32>} : memref<2x80x128xf32, #tpu.memory_space<vmem>>, vector<16xf32>,
      tpu.vector_store %arg9[%swap3A_390, %swap3A_391, %swap3A_392], %broadcast_in_dim3A_387 {strides = array<i32>} : memref<2x80x128xf32, #tpu.memory_space<vmem>>, vector<16xf32>,
      %broadcast_in_dim3A_394 = arith.constant 0.000000e+00 : f32
      %broadcast_in_dim3A_395 = vector.broadcast %broadcast_in_dim3A_394 : f32 to vector<16xf32>
      %swap3A_396 = arith.constant 0 : i32
      %swap3A_397 = arith.constant 32 : i32
      %swap3A_398 = arith.index_cast %swap3A_396 : i32 to index
      %swap3A_399 = arith.index_cast %while3A_378 : i32 to index
      %swap3A_400 = arith.index_cast %swap3A_397 : i32 to index
      %swap3A_401 = tpu.vector_load %arg9[%swap3A_398, %swap3A_399, %swap3A_400] {strides = array<i32>} : memref<2x80x128xf32, #tpu.memory_space<vmem>>, vector<16xf32>,
      tpu.vector_store %arg9[%swap3A_398, %swap3A_399, %swap3A_400], %broadcast_in_dim3A_395 {strides = array<i32>} : memref<2x80x128xf32, #tpu.memory_space<vmem>>, vector<16xf32>,
      %broadcast_in_dim3A_402 = arith.constant 0.000000e+00 : f32
      %broadcast_in_dim3A_403 = vector.broadcast %broadcast_in_dim3A_402 : f32 to vector<16xf32>
      %swap3A_404 = arith.constant 0 : i32
      %swap3A_405 = arith.constant 48 : i32
      %swap3A_406 = arith.index_cast %swap3A_404 : i32 to index
      %swap3A_407 = arith.index_cast %while3A_378 : i32 to index
      %swap3A_408 = arith.index_cast %swap3A_405 : i32 to index
      %swap3A_409 = tpu.vector_load %arg9[%swap3A_406, %swap3A_407, %swap3A_408] {strides = array<i32>} : memref<2x80x128xf32, #tpu.memory_space<vmem>>, vector<16xf32>,
      tpu.vector_store %arg9[%swap3A_406, %swap3A_407, %swap3A_408], %broadcast_in_dim3A_403 {strides = array<i32>} : memref<2x80x128xf32, #tpu.memory_space<vmem>>, vector<16xf32>,
      %broadcast_in_dim3A_410 = arith.constant 0.000000e+00 : f32
      %broadcast_in_dim3A_411 = vector.broadcast %broadcast_in_dim3A_410 : f32 to vector<16xf32>
      %swap3A_412 = arith.constant 0 : i32
      %swap3A_413 = arith.constant 64 : i32
      %swap3A_414 = arith.index_cast %swap3A_412 : i32 to index
      %swap3A_415 = arith.index_cast %while3A_378 : i32 to index
      %swap3A_416 = arith.index_cast %swap3A_413 : i32 to index
      %swap3A_417 = tpu.vector_load %arg9[%swap3A_414, %swap3A_415, %swap3A_416] {strides = array<i32>} : memref<2x80x128xf32, #tpu.memory_space<vmem>>, vector<16xf32>,
      tpu.vector_store %arg9[%swap3A_414, %swap3A_415, %swap3A_416], %broadcast_in_dim3A_411 {strides = array<i32>} : memref<2x80x128xf32, #tpu.memory_space<vmem>>, vector<16xf32>,
      %broadcast_in_dim3A_418 = arith.constant 0.000000e+00 : f32
      %broadcast_in_dim3A_419 = vector.broadcast %broadcast_in_dim3A_418 : f32 to vector<16xf32>
      %swap3A_420 = arith.constant 0 : i32
      %swap3A_421 = arith.constant 80 : i32
      %swap3A_422 = arith.index_cast %swap3A_420 : i32 to index
      %swap3A_423 = arith.index_cast %while3A_378 : i32 to index
      %swap3A_424 = arith.index_cast %swap3A_421 : i32 to index
      %swap3A_425 = tpu.vector_load %arg9[%swap3A_422, %swap3A_423, %swap3A_424] {strides = array<i32>} : memref<2x80x128xf32, #tpu.memory_space<vmem>>, vector<16xf32>,
      tpu.vector_store %arg9[%swap3A_422, %swap3A_423, %swap3A_424], %broadcast_in_dim3A_419 {strides = array<i32>} : memref<2x80x128xf32, #tpu.memory_space<vmem>>, vector<16xf32>,
      %broadcast_in_dim3A_426 = arith.constant 0.000000e+00 : f32
      %broadcast_in_dim3A_427 = vector.broadcast %broadcast_in_dim3A_426 : f32 to vector<16xf32>
      %swap3A_428 = arith.constant 0 : i32
      %swap3A_429 = arith.constant 96 : i32
      %swap3A_430 = arith.index_cast %swap3A_428 : i32 to index
      %swap3A_431 = arith.index_cast %while3A_378 : i32 to index
      %swap3A_432 = arith.index_cast %swap3A_429 : i32 to index
      %swap3A_433 = tpu.vector_load %arg9[%swap3A_430, %swap3A_431, %swap3A_432] {strides = array<i32>} : memref<2x80x128xf32, #tpu.memory_space<vmem>>, vector<16xf32>,
      tpu.vector_store %arg9[%swap3A_430, %swap3A_431, %swap3A_432], %broadcast_in_dim3A_427 {strides = array<i32>} : memref<2x80x128xf32, #tpu.memory_space<vmem>>, vector<16xf32>,
      %broadcast_in_dim3A_434 = arith.constant 0.000000e+00 : f32
      %broadcast_in_dim3A_435 = vector.broadcast %broadcast_in_dim3A_434 : f32 to vector<16xf32>
      %swap3A_436 = arith.constant 0 : i32
      %swap3A_437 = arith.constant 112 : i32
      %swap3A_438 = arith.index_cast %swap3A_436 : i32 to index
      %swap3A_439 = arith.index_cast %while3A_378 : i32 to index
      %swap3A_440 = arith.index_cast %swap3A_437 : i32 to index
      %swap3A_441 = tpu.vector_load %arg9[%swap3A_438, %swap3A_439, %swap3A_440] {strides = array<i32>} : memref<2x80x128xf32, #tpu.memory_space<vmem>>, vector<16xf32>,
      tpu.vector_store %arg9[%swap3A_438, %swap3A_439, %swap3A_440], %broadcast_in_dim3A_435 {strides = array<i32>} : memref<2x80x128xf32, #tpu.memory_space<vmem>>, vector<16xf32>,
    }
    %while3A_10 = arith.constant 1 : i32
    scf.for %while3A_378 = %while3A_8 to %while3A_4 step %while3A_10  : i32 {
      %broadcast_in_dim3A_379 = arith.constant 0.000000e+00 : f32
      %broadcast_in_dim3A_380 = vector.broadcast %broadcast_in_dim3A_379 : f32 to vector<16xf32>
      %swap3A = arith.constant 0 : i32
      %swap3A_381 = arith.constant 0 : i32
      %swap3A_382 = arith.index_cast %swap3A : i32 to index
      %swap3A_383 = arith.index_cast %while3A_378 : i32 to index
      %swap3A_384 = arith.index_cast %swap3A_381 : i32 to index
      %swap3A_385 = tpu.vector_load %arg9[%swap3A_382, %swap3A_383, %swap3A_384] {strides = array<i32>} : memref<2x80x128xf32, #tpu.memory_space<vmem>>, vector<16xf32>,
      tpu.vector_store %arg9[%swap3A_382, %swap3A_383, %swap3A_384], %broadcast_in_dim3A_380 {strides = array<i32>} : memref<2x80x128xf32, #tpu.memory_space<vmem>>, vector<16xf32>,
      %broadcast_in_dim3A_386 = arith.constant 0.000000e+00 : f32
      %broadcast_in_dim3A_387 = vector.broadcast %broadcast_in_dim3A_386 : f32 to vector<16xf32>
      %swap3A_388 = arith.constant 0 : i32
      %swap3A_389 = arith.constant 16 : i32
      %swap3A_390 = arith.index_cast %swap3A_388 : i32 to index
      %swap3A_391 = arith.index_cast %while3A_378 : i32 to index
      %swap3A_392 = arith.index_cast %swap3A_389 : i32 to index
      %swap3A_393 = tpu.vector_load %arg9[%swap3A_390, %swap3A_391, %swap3A_392] {strides = array<i32>} : memref<2x80x128xf32, #tpu.memory_space<vmem>>, vector<16xf32>,
      tpu.vector_store %arg9[%swap3A_390, %swap3A_391, %swap3A_392], %broadcast_in_dim3A_387 {strides = array<i32>} : memref<2x80x128xf32, #tpu.memory_space<vmem>>, vector<16xf32>,
      %broadcast_in_dim3A_394 = arith.constant 0.000000e+00 : f32
      %broadcast_in_dim3A_395 = vector.broadcast %broadcast_in_dim3A_394 : f32 to vector<16xf32>
      %swap3A_396 = arith.constant 0 : i32
      %swap3A_397 = arith.constant 32 : i32
      %swap3A_398 = arith.index_cast %swap3A_396 : i32 to index
      %swap3A_399 = arith.index_cast %while3A_378 : i32 to index
      %swap3A_400 = arith.index_cast %swap3A_397 : i32 to index
      %swap3A_401 = tpu.vector_load %arg9[%swap3A_398, %swap3A_399, %swap3A_400] {strides = array<i32>} : memref<2x80x128xf32, #tpu.memory_space<vmem>>, vector<16xf32>,
      tpu.vector_store %arg9[%swap3A_398, %swap3A_399, %swap3A_400], %broadcast_in_dim3A_395 {strides = array<i32>} : memref<2x80x128xf32, #tpu.memory_space<vmem>>, vector<16xf32>,
      %broadcast_in_dim3A_402 = arith.constant 0.000000e+00 : f32
      %broadcast_in_dim3A_403 = vector.broadcast %broadcast_in_dim3A_402 : f32 to vector<16xf32>
      %swap3A_404 = arith.constant 0 : i32
      %swap3A_405 = arith.constant 48 : i32
      %swap3A_406 = arith.index_cast %swap3A_404 : i32 to index
      %swap3A_407 = arith.index_cast %while3A_378 : i32 to index
      %swap3A_408 = arith.index_cast %swap3A_405 : i32 to index
      %swap3A_409 = tpu.vector_load %arg9[%swap3A_406, %swap3A_407, %swap3A_408] {strides = array<i32>} : memref<2x80x128xf32, #tpu.memory_space<vmem>>, vector<16xf32>,
      tpu.vector_store %arg9[%swap3A_406, %swap3A_407, %swap3A_408], %broadcast_in_dim3A_403 {strides = array<i32>} : memref<2x80x128xf32, #tpu.memory_space<vmem>>, vector<16xf32>,
      %broadcast_in_dim3A_410 = arith.constant 0.000000e+00 : f32
      %broadcast_in_dim3A_411 = vector.broadcast %broadcast_in_dim3A_410 : f32 to vector<16xf32>
      %swap3A_412 = arith.constant 0 : i32
      %swap3A_413 = arith.constant 64 : i32
      %swap3A_414 = arith.index_cast %swap3A_412 : i32 to index
      %swap3A_415 = arith.index_cast %while3A_378 : i32 to index
      %swap3A_416 = arith.index_cast %swap3A_413 : i32 to index
      %swap3A_417 = tpu.vector_load %arg9[%swap3A_414, %swap3A_415, %swap3A_416] {strides = array<i32>} : memref<2x80x128xf32, #tpu.memory_space<vmem>>, vector<16xf32>,
      tpu.vector_store %arg9[%swap3A_414, %swap3A_415, %swap3A_416], %broadcast_in_dim3A_411 {strides = array<i32>} : memref<2x80x128xf32, #tpu.memory_space<vmem>>, vector<16xf32>,
      %broadcast_in_dim3A_418 = arith.constant 0.000000e+00 : f32
      %broadcast_in_dim3A_419 = vector.broadcast %broadcast_in_dim3A_418 : f32 to vector<16xf32>
      %swap3A_420 = arith.constant 0 : i32
      %swap3A_421 = arith.constant 80 : i32
      %swap3A_422 = arith.index_cast %swap3A_420 : i32 to index
      %swap3A_423 = arith.index_cast %while3A_378 : i32 to index
      %swap3A_424 = arith.index_cast %swap3A_421 : i32 to index
      %swap3A_425 = tpu.vector_load %arg9[%swap3A_422, %swap3A_423, %swap3A_424] {strides = array<i32>} : memref<2x80x128xf32, #tpu.memory_space<vmem>>, vector<16xf32>,
      tpu.vector_store %arg9[%swap3A_422, %swap3A_423, %swap3A_424], %broadcast_in_dim3A_419 {strides = array<i32>} : memref<2x80x128xf32, #tpu.memory_space<vmem>>, vector<16xf32>,
      %broadcast_in_dim3A_426 = arith.constant 0.000000e+00 : f32
      %broadcast_in_dim3A_427 = vector.broadcast %broadcast_in_dim3A_426 : f32 to vector<16xf32>
      %swap3A_428 = arith.constant 0 : i32
      %swap3A_429 = arith.constant 96 : i32
      %swap3A_430 = arith.index_cast %swap3A_428 : i32 to index
      %swap3A_431 = arith.index_cast %while3A_378 : i32 to index
      %swap3A_432 = arith.index_cast %swap3A_429 : i32 to index
      %swap3A_433 = tpu.vector_load %arg9[%swap3A_430, %swap3A_431, %swap3A_432] {strides = array<i32>} : memref<2x80x128xf32, #tpu.memory_space<vmem>>, vector<16xf32>,
      tpu.vector_store %arg9[%swap3A_430, %swap3A_431, %swap3A_432], %broadcast_in_dim3A_427 {strides = array<i32>} : memref<2x80x128xf32, #tpu.memory_space<vmem>>, vector<16xf32>,
      %broadcast_in_dim3A_434 = arith.constant 0.000000e+00 : f32
      %broadcast_in_dim3A_435 = vector.broadcast %broadcast_in_dim3A_434 : f32 to vector<16xf32>
      %swap3A_436 = arith.constant 0 : i32
      %swap3A_437 = arith.constant 112 : i32
      %swap3A_438 = arith.index_cast %swap3A_436 : i32 to index
      %swap3A_439 = arith.index_cast %while3A_378 : i32 to index
      %swap3A_440 = arith.index_cast %swap3A_437 : i32 to index
      %swap3A_441 = tpu.vector_load %arg9[%swap3A_438, %swap3A_439, %swap3A_440] {strides = array<i32>} : memref<2x80x128xf32, #tpu.memory_space<vmem>>, vector<16xf32>,
      tpu.vector_store %arg9[%swap3A_438, %swap3A_439, %swap3A_440], %broadcast_in_dim3A_435 {strides = array<i32>} : memref<2x80x128xf32, #tpu.memory_space<vmem>>, vector<16xf32>,
    }
    %mul3A_11 = arith.constant 632 : i32
    %mul3A_12 = arith.muli %arg1, %mul3A_11 : i32
    %add3A_13 = arith.constant 0 : i32
    %add3A_14 = arith.addi %mul3A_12, %add3A_13 : i32
    %dma_start3A = arith.constant 0 : i32
    %dma_start3A_15 = arith.constant 0 : i32
    %dma_start3A_16 = arith.constant 0 : i32
    %dma_start3A_17 = tpu.memref_slice %arg9[%dma_start3A, %dma_start3A_15, %dma_start3A_16] : memref<2x80x128xf32, #tpu.memory_space<vmem>> -> memref<1x80x128xf32, #tpu.memory_space<vmem>>
    %dma_start3A_18 = tpu.memref_squeeze %dma_start3A_17 : memref<1x80x128xf32, #tpu.memory_space<vmem>> -> memref<80x128xf32, #tpu.memory_space<vmem>>
    %dma_start3A_19 = arith.constant 0 : i32
    %dma_start3A_20 = tpu.memref_slice %arg11[%add3A_14, %dma_start3A_19] : memref<10112x128xf32, #tpu.memory_space<vmem_shared>> -> memref<80x128xf32, #tpu.memory_space<vmem_shared>>
    %dma_start3A_21 = arith.constant 0 : i32
    %dma_start3A_22 = tpu.memref_slice %arg11[%add3A_14, %dma_start3A_21] : memref<10112x128xf32, #tpu.memory_space<vmem_shared>> -> memref<80x128xf32, #tpu.memory_space<vmem_shared>>
    %dma_start3A_23 = arith.constant 0 : i32
    %dma_start3A_24 = arith.constant 0 : i32
    %dma_start3A_25 = tpu.memref_slice %arg9[%dma_start3A, %dma_start3A_23, %dma_start3A_24] : memref<2x80x128xf32, #tpu.memory_space<vmem>> -> memref<1x80x128xf32, #tpu.memory_space<vmem>>
    %dma_start3A_26 = tpu.memref_squeeze %dma_start3A_25 : memref<1x80x128xf32, #tpu.memory_space<vmem>> -> memref<80x128xf32, #tpu.memory_space<vmem>>
    tpu.enqueue_dma source(%dma_start3A_26 : memref<80x128xf32, #tpu.memory_space<vmem>>) target(%dma_start3A_22 : memref<80x128xf32, #tpu.memory_space<vmem_shared>>) target_semaphore(%arg16 : memref<!tpu.dma_semaphore, #tpu.memory_space<semaphore_mem>>)
    %add3A_27 = arith.constant 80 : i32
    %add3A_28 = arith.addi %mul3A_12, %add3A_27 : i32
    %dma_start3A_29 = arith.constant 0 : i32
    %dma_start3A_30 = arith.constant 0 : i32
    %dma_start3A_31 = arith.constant 0 : i32
    %dma_start3A_32 = tpu.memref_slice %arg9[%dma_start3A_29, %dma_start3A_30, %dma_start3A_31] : memref<2x80x128xf32, #tpu.memory_space<vmem>> -> memref<1x80x128xf32, #tpu.memory_space<vmem>>
    %dma_start3A_33 = tpu.memref_squeeze %dma_start3A_32 : memref<1x80x128xf32, #tpu.memory_space<vmem>> -> memref<80x128xf32, #tpu.memory_space<vmem>>
    %dma_start3A_34 = arith.constant 0 : i32
    %dma_start3A_35 = tpu.memref_slice %arg11[%add3A_28, %dma_start3A_34] : memref<10112x128xf32, #tpu.memory_space<vmem_shared>> -> memref<80x128xf32, #tpu.memory_space<vmem_shared>>
    %dma_start3A_36 = arith.constant 0 : i32
    %dma_start3A_37 = tpu.memref_slice %arg11[%add3A_28, %dma_start3A_36] : memref<10112x128xf32, #tpu.memory_space<vmem_shared>> -> memref<80x128xf32, #tpu.memory_space<vmem_shared>>
    %dma_start3A_38 = arith.constant 0 : i32
    %dma_start3A_39 = arith.constant 0 : i32
    %dma_start3A_40 = tpu.memref_slice %arg9[%dma_start3A_29, %dma_start3A_38, %dma_start3A_39] : memref<2x80x128xf32, #tpu.memory_space<vmem>> -> memref<1x80x128xf32, #tpu.memory_space<vmem>>
    %dma_start3A_41 = tpu.memref_squeeze %dma_start3A_40 : memref<1x80x128xf32, #tpu.memory_space<vmem>> -> memref<80x128xf32, #tpu.memory_space<vmem>>
    tpu.enqueue_dma source(%dma_start3A_41 : memref<80x128xf32, #tpu.memory_space<vmem>>) target(%dma_start3A_37 : memref<80x128xf32, #tpu.memory_space<vmem_shared>>) target_semaphore(%arg16 : memref<!tpu.dma_semaphore, #tpu.memory_space<semaphore_mem>>)
    %add3A_42 = arith.constant 160 : i32
    %add3A_43 = arith.addi %mul3A_12, %add3A_42 : i32
    %dma_start3A_44 = arith.constant 0 : i32
    %dma_start3A_45 = arith.constant 0 : i32
    %dma_start3A_46 = arith.constant 0 : i32
    %dma_start3A_47 = tpu.memref_slice %arg9[%dma_start3A_44, %dma_start3A_45, %dma_start3A_46] : memref<2x80x128xf32, #tpu.memory_space<vmem>> -> memref<1x80x128xf32, #tpu.memory_space<vmem>>
    %dma_start3A_48 = tpu.memref_squeeze %dma_start3A_47 : memref<1x80x128xf32, #tpu.memory_space<vmem>> -> memref<80x128xf32, #tpu.memory_space<vmem>>
    %dma_start3A_49 = arith.constant 0 : i32
    %dma_start3A_50 = tpu.memref_slice %arg11[%add3A_43, %dma_start3A_49] : memref<10112x128xf32, #tpu.memory_space<vmem_shared>> -> memref<80x128xf32, #tpu.memory_space<vmem_shared>>
    %dma_start3A_51 = arith.constant 0 : i32
    %dma_start3A_52 = tpu.memref_slice %arg11[%add3A_43, %dma_start3A_51] : memref<10112x128xf32, #tpu.memory_space<vmem_shared>> -> memref<80x128xf32, #tpu.memory_space<vmem_shared>>
    %dma_start3A_53 = arith.constant 0 : i32
    %dma_start3A_54 = arith.constant 0 : i32
    %dma_start3A_55 = tpu.memref_slice %arg9[%dma_start3A_44, %dma_start3A_53, %dma_start3A_54] : memref<2x80x128xf32, #tpu.memory_space<vmem>> -> memref<1x80x128xf32, #tpu.memory_space<vmem>>
    %dma_start3A_56 = tpu.memref_squeeze %dma_start3A_55 : memref<1x80x128xf32, #tpu.memory_space<vmem>> -> memref<80x128xf32, #tpu.memory_space<vmem>>
    tpu.enqueue_dma source(%dma_start3A_56 : memref<80x128xf32, #tpu.memory_space<vmem>>) target(%dma_start3A_52 : memref<80x128xf32, #tpu.memory_space<vmem_shared>>) target_semaphore(%arg16 : memref<!tpu.dma_semaphore, #tpu.memory_space<semaphore_mem>>)
    %add3A_57 = arith.constant 240 : i32
    %add3A_58 = arith.addi %mul3A_12, %add3A_57 : i32
    %dma_start3A_59 = arith.constant 0 : i32
    %dma_start3A_60 = arith.constant 0 : i32
    %dma_start3A_61 = arith.constant 0 : i32
    %dma_start3A_62 = tpu.memref_slice %arg9[%dma_start3A_59, %dma_start3A_60, %dma_start3A_61] : memref<2x80x128xf32, #tpu.memory_space<vmem>> -> memref<1x80x128xf32, #tpu.memory_space<vmem>>
    %dma_start3A_63 = tpu.memref_squeeze %dma_start3A_62 : memref<1x80x128xf32, #tpu.memory_space<vmem>> -> memref<80x128xf32, #tpu.memory_space<vmem>>
    %dma_start3A_64 = arith.constant 0 : i32
    %dma_start3A_65 = tpu.memref_slice %arg11[%add3A_58, %dma_start3A_64] : memref<10112x128xf32, #tpu.memory_space<vmem_shared>> -> memref<80x128xf32, #tpu.memory_space<vmem_shared>>
    %dma_start3A_66 = arith.constant 0 : i32
    %dma_start3A_67 = tpu.memref_slice %arg11[%add3A_58, %dma_start3A_66] : memref<10112x128xf32, #tpu.memory_space<vmem_shared>> -> memref<80x128xf32, #tpu.memory_space<vmem_shared>>
    %dma_start3A_68 = arith.constant 0 : i32
    %dma_start3A_69 = arith.constant 0 : i32
    %dma_start3A_70 = tpu.memref_slice %arg9[%dma_start3A_59, %dma_start3A_68, %dma_start3A_69] : memref<2x80x128xf32, #tpu.memory_space<vmem>> -> memref<1x80x128xf32, #tpu.memory_space<vmem>>
    %dma_start3A_71 = tpu.memref_squeeze %dma_start3A_70 : memref<1x80x128xf32, #tpu.memory_space<vmem>> -> memref<80x128xf32, #tpu.memory_space<vmem>>
    tpu.enqueue_dma source(%dma_start3A_71 : memref<80x128xf32, #tpu.memory_space<vmem>>) target(%dma_start3A_67 : memref<80x128xf32, #tpu.memory_space<vmem_shared>>) target_semaphore(%arg16 : memref<!tpu.dma_semaphore, #tpu.memory_space<semaphore_mem>>)
    %add3A_72 = arith.constant 320 : i32
    %add3A_73 = arith.addi %mul3A_12, %add3A_72 : i32
    %dma_start3A_74 = arith.constant 0 : i32
    %dma_start3A_75 = arith.constant 0 : i32
    %dma_start3A_76 = arith.constant 0 : i32
    %dma_start3A_77 = tpu.memref_slice %arg9[%dma_start3A_74, %dma_start3A_75, %dma_start3A_76] : memref<2x80x128xf32, #tpu.memory_space<vmem>> -> memref<1x80x128xf32, #tpu.memory_space<vmem>>
    %dma_start3A_78 = tpu.memref_squeeze %dma_start3A_77 : memref<1x80x128xf32, #tpu.memory_space<vmem>> -> memref<80x128xf32, #tpu.memory_space<vmem>>
    %dma_start3A_79 = arith.constant 0 : i32
    %dma_start3A_80 = tpu.memref_slice %arg11[%add3A_73, %dma_start3A_79] : memref<10112x128xf32, #tpu.memory_space<vmem_shared>> -> memref<80x128xf32, #tpu.memory_space<vmem_shared>>
    %dma_start3A_81 = arith.constant 0 : i32
    %dma_start3A_82 = tpu.memref_slice %arg11[%add3A_73, %dma_start3A_81] : memref<10112x128xf32, #tpu.memory_space<vmem_shared>> -> memref<80x128xf32, #tpu.memory_space<vmem_shared>>
    %dma_start3A_83 = arith.constant 0 : i32
    %dma_start3A_84 = arith.constant 0 : i32
    %dma_start3A_85 = tpu.memref_slice %arg9[%dma_start3A_74, %dma_start3A_83, %dma_start3A_84] : memref<2x80x128xf32, #tpu.memory_space<vmem>> -> memref<1x80x128xf32, #tpu.memory_space<vmem>>
    %dma_start3A_86 = tpu.memref_squeeze %dma_start3A_85 : memref<1x80x128xf32, #tpu.memory_space<vmem>> -> memref<80x128xf32, #tpu.memory_space<vmem>>
    tpu.enqueue_dma source(%dma_start3A_86 : memref<80x128xf32, #tpu.memory_space<vmem>>) target(%dma_start3A_82 : memref<80x128xf32, #tpu.memory_space<vmem_shared>>) target_semaphore(%arg16 : memref<!tpu.dma_semaphore, #tpu.memory_space<semaphore_mem>>)
    %add3A_87 = arith.constant 400 : i32
    %add3A_88 = arith.addi %mul3A_12, %add3A_87 : i32
    %dma_start3A_89 = arith.constant 0 : i32
    %dma_start3A_90 = arith.constant 0 : i32
    %dma_start3A_91 = arith.constant 0 : i32
    %dma_start3A_92 = tpu.memref_slice %arg9[%dma_start3A_89, %dma_start3A_90, %dma_start3A_91] : memref<2x80x128xf32, #tpu.memory_space<vmem>> -> memref<1x80x128xf32, #tpu.memory_space<vmem>>
    %dma_start3A_93 = tpu.memref_squeeze %dma_start3A_92 : memref<1x80x128xf32, #tpu.memory_space<vmem>> -> memref<80x128xf32, #tpu.memory_space<vmem>>
    %dma_start3A_94 = arith.constant 0 : i32
    %dma_start3A_95 = tpu.memref_slice %arg11[%add3A_88, %dma_start3A_94] : memref<10112x128xf32, #tpu.memory_space<vmem_shared>> -> memref<80x128xf32, #tpu.memory_space<vmem_shared>>
    %dma_start3A_96 = arith.constant 0 : i32
    %dma_start3A_97 = tpu.memref_slice %arg11[%add3A_88, %dma_start3A_96] : memref<10112x128xf32, #tpu.memory_space<vmem_shared>> -> memref<80x128xf32, #tpu.memory_space<vmem_shared>>
    %dma_start3A_98 = arith.constant 0 : i32
    %dma_start3A_99 = arith.constant 0 : i32
    %dma_start3A_100 = tpu.memref_slice %arg9[%dma_start3A_89, %dma_start3A_98, %dma_start3A_99] : memref<2x80x128xf32, #tpu.memory_space<vmem>> -> memref<1x80x128xf32, #tpu.memory_space<vmem>>
    %dma_start3A_101 = tpu.memref_squeeze %dma_start3A_100 : memref<1x80x128xf32, #tpu.memory_space<vmem>> -> memref<80x128xf32, #tpu.memory_space<vmem>>
    tpu.enqueue_dma source(%dma_start3A_101 : memref<80x128xf32, #tpu.memory_space<vmem>>) target(%dma_start3A_97 : memref<80x128xf32, #tpu.memory_space<vmem_shared>>) target_semaphore(%arg16 : memref<!tpu.dma_semaphore, #tpu.memory_space<semaphore_mem>>)
    %add3A_102 = arith.constant 480 : i32
    %add3A_103 = arith.addi %mul3A_12, %add3A_102 : i32
    %dma_start3A_104 = arith.constant 0 : i32
    %dma_start3A_105 = arith.constant 0 : i32
    %dma_start3A_106 = arith.constant 0 : i32
    %dma_start3A_107 = tpu.memref_slice %arg9[%dma_start3A_104, %dma_start3A_105, %dma_start3A_106] : memref<2x80x128xf32, #tpu.memory_space<vmem>> -> memref<1x80x128xf32, #tpu.memory_space<vmem>>
    %dma_start3A_108 = tpu.memref_squeeze %dma_start3A_107 : memref<1x80x128xf32, #tpu.memory_space<vmem>> -> memref<80x128xf32, #tpu.memory_space<vmem>>
    %dma_start3A_109 = arith.constant 0 : i32
    %dma_start3A_110 = tpu.memref_slice %arg11[%add3A_103, %dma_start3A_109] : memref<10112x128xf32, #tpu.memory_space<vmem_shared>> -> memref<80x128xf32, #tpu.memory_space<vmem_shared>>
    %dma_start3A_111 = arith.constant 0 : i32
    %dma_start3A_112 = tpu.memref_slice %arg11[%add3A_103, %dma_start3A_111] : memref<10112x128xf32, #tpu.memory_space<vmem_shared>> -> memref<80x128xf32, #tpu.memory_space<vmem_shared>>
    %dma_start3A_113 = arith.constant 0 : i32
    %dma_start3A_114 = arith.constant 0 : i32
    %dma_start3A_115 = tpu.memref_slice %arg9[%dma_start3A_104, %dma_start3A_113, %dma_start3A_114] : memref<2x80x128xf32, #tpu.memory_space<vmem>> -> memref<1x80x128xf32, #tpu.memory_space<vmem>>
    %dma_start3A_116 = tpu.memref_squeeze %dma_start3A_115 : memref<1x80x128xf32, #tpu.memory_space<vmem>> -> memref<80x128xf32, #tpu.memory_space<vmem>>
    tpu.enqueue_dma source(%dma_start3A_116 : memref<80x128xf32, #tpu.memory_space<vmem>>) target(%dma_start3A_112 : memref<80x128xf32, #tpu.memory_space<vmem_shared>>) target_semaphore(%arg16 : memref<!tpu.dma_semaphore, #tpu.memory_space<semaphore_mem>>)
    %add3A_117 = arith.constant 560 : i32
    %add3A_118 = arith.addi %mul3A_12, %add3A_117 : i32
    %dma_start3A_119 = arith.constant 0 : i32
    %dma_start3A_120 = arith.constant 0 : i32
    %dma_start3A_121 = arith.constant 0 : i32
    %dma_start3A_122 = tpu.memref_slice %arg9[%dma_start3A_119, %dma_start3A_120, %dma_start3A_121] : memref<2x80x128xf32, #tpu.memory_space<vmem>> -> memref<1x72x128xf32, #tpu.memory_space<vmem>>
    %dma_start3A_123 = tpu.memref_squeeze %dma_start3A_122 : memref<1x72x128xf32, #tpu.memory_space<vmem>> -> memref<72x128xf32, #tpu.memory_space<vmem>>
    %dma_start3A_124 = arith.constant 0 : i32
    %dma_start3A_125 = tpu.memref_slice %arg11[%add3A_118, %dma_start3A_124] : memref<10112x128xf32, #tpu.memory_space<vmem_shared>> -> memref<72x128xf32, #tpu.memory_space<vmem_shared>>
    %dma_start3A_126 = arith.constant 0 : i32
    %dma_start3A_127 = tpu.memref_slice %arg11[%add3A_118, %dma_start3A_126] : memref<10112x128xf32, #tpu.memory_space<vmem_shared>> -> memref<72x128xf32, #tpu.memory_space<vmem_shared>>
    %dma_start3A_128 = arith.constant 0 : i32
    %dma_start3A_129 = tpu.memref_slice %arg9[%dma_start3A_119, %dma_start3A_120, %dma_start3A_128] : memref<2x80x128xf32, #tpu.memory_space<vmem>> -> memref<1x72x128xf32, #tpu.memory_space<vmem>>
    %dma_start3A_130 = tpu.memref_squeeze %dma_start3A_129 : memref<1x72x128xf32, #tpu.memory_space<vmem>> -> memref<72x128xf32, #tpu.memory_space<vmem>>
    tpu.enqueue_dma source(%dma_start3A_130 : memref<72x128xf32, #tpu.memory_space<vmem>>) target(%dma_start3A_127 : memref<72x128xf32, #tpu.memory_space<vmem_shared>>) target_semaphore(%arg16 : memref<!tpu.dma_semaphore, #tpu.memory_space<semaphore_mem>>)
    %add3A_131 = arith.constant 0 : i32
    %add3A_132 = arith.addi %mul3A_12, %add3A_131 : i32
    %dma_wait3A = arith.constant 0 : i32
    %dma_wait3A_133 = arith.constant 0 : i32
    %dma_wait3A_134 = arith.constant 0 : i32
    %dma_wait3A_135 = tpu.memref_slice %arg9[%dma_wait3A, %dma_wait3A_133, %dma_wait3A_134] : memref<2x80x128xf32, #tpu.memory_space<vmem>> -> memref<1x80x128xf32, #tpu.memory_space<vmem>>
    %dma_wait3A_136 = tpu.memref_squeeze %dma_wait3A_135 : memref<1x80x128xf32, #tpu.memory_space<vmem>> -> memref<80x128xf32, #tpu.memory_space<vmem>>
    %dma_wait3A_137 = arith.constant 0 : i32
    %dma_wait3A_138 = tpu.memref_slice %arg11[%add3A_132, %dma_wait3A_137] : memref<10112x128xf32, #tpu.memory_space<vmem_shared>> -> memref<80x128xf32, #tpu.memory_space<vmem_shared>>
    %dma_wait3A_139 = arith.constant 0 : i32
    %dma_wait3A_140 = tpu.memref_slice %arg11[%add3A_132, %dma_wait3A_139] : memref<10112x128xf32, #tpu.memory_space<vmem_shared>> -> memref<80x128xf32, #tpu.memory_space<vmem_shared>>
    %dma_wait3A_141 = arith.constant 0 : i32
    %dma_wait3A_142 = arith.constant 0 : i32
    %dma_wait3A_143 = tpu.memref_slice %arg9[%dma_wait3A, %dma_wait3A_141, %dma_wait3A_142] : memref<2x80x128xf32, #tpu.memory_space<vmem>> -> memref<1x80x128xf32, #tpu.memory_space<vmem>>
    %dma_wait3A_144 = tpu.memref_squeeze %dma_wait3A_143 : memref<1x80x128xf32, #tpu.memory_space<vmem>> -> memref<80x128xf32, #tpu.memory_space<vmem>>
    tpu.wait_dma2 semaphore(%arg16 : memref<!tpu.dma_semaphore, #tpu.memory_space<semaphore_mem>>) src(%dma_wait3A_144 : memref<80x128xf32, #tpu.memory_space<vmem>>) dst(%dma_wait3A_140 : memref<80x128xf32, #tpu.memory_space<vmem_shared>>)
    %add3A_145 = arith.constant 80 : i32
    %add3A_146 = arith.addi %mul3A_12, %add3A_145 : i32
    %dma_wait3A_147 = arith.constant 0 : i32
    %dma_wait3A_148 = arith.constant 0 : i32
    %dma_wait3A_149 = arith.constant 0 : i32
    %dma_wait3A_150 = tpu.memref_slice %arg9[%dma_wait3A_147, %dma_wait3A_148, %dma_wait3A_149] : memref<2x80x128xf32, #tpu.memory_space<vmem>> -> memref<1x80x128xf32, #tpu.memory_space<vmem>>
    %dma_wait3A_151 = tpu.memref_squeeze %dma_wait3A_150 : memref<1x80x128xf32, #tpu.memory_space<vmem>> -> memref<80x128xf32, #tpu.memory_space<vmem>>
    %dma_wait3A_152 = arith.constant 0 : i32
    %dma_wait3A_153 = tpu.memref_slice %arg11[%add3A_146, %dma_wait3A_152] : memref<10112x128xf32, #tpu.memory_space<vmem_shared>> -> memref<80x128xf32, #tpu.memory_space<vmem_shared>>
    %dma_wait3A_154 = arith.constant 0 : i32
    %dma_wait3A_155 = tpu.memref_slice %arg11[%add3A_146, %dma_wait3A_154] : memref<10112x128xf32, #tpu.memory_space<vmem_shared>> -> memref<80x128xf32, #tpu.memory_space<vmem_shared>>
    %dma_wait3A_156 = arith.constant 0 : i32
    %dma_wait3A_157 = arith.constant 0 : i32
    %dma_wait3A_158 = tpu.memref_slice %arg9[%dma_wait3A_147, %dma_wait3A_156, %dma_wait3A_157] : memref<2x80x128xf32, #tpu.memory_space<vmem>> -> memref<1x80x128xf32, #tpu.memory_space<vmem>>
    %dma_wait3A_159 = tpu.memref_squeeze %dma_wait3A_158 : memref<1x80x128xf32, #tpu.memory_space<vmem>> -> memref<80x128xf32, #tpu.memory_space<vmem>>
    tpu.wait_dma2 semaphore(%arg16 : memref<!tpu.dma_semaphore, #tpu.memory_space<semaphore_mem>>) src(%dma_wait3A_159 : memref<80x128xf32, #tpu.memory_space<vmem>>) dst(%dma_wait3A_155 : memref<80x128xf32, #tpu.memory_space<vmem_shared>>)
    %add3A_160 = arith.constant 160 : i32
    %add3A_161 = arith.addi %mul3A_12, %add3A_160 : i32
    %dma_wait3A_162 = arith.constant 0 : i32
    %dma_wait3A_163 = arith.constant 0 : i32
    %dma_wait3A_164 = arith.constant 0 : i32
    %dma_wait3A_165 = tpu.memref_slice %arg9[%dma_wait3A_162, %dma_wait3A_163, %dma_wait3A_164] : memref<2x80x128xf32, #tpu.memory_space<vmem>> -> memref<1x80x128xf32, #tpu.memory_space<vmem>>
    %dma_wait3A_166 = tpu.memref_squeeze %dma_wait3A_165 : memref<1x80x128xf32, #tpu.memory_space<vmem>> -> memref<80x128xf32, #tpu.memory_space<vmem>>
    %dma_wait3A_167 = arith.constant 0 : i32
    %dma_wait3A_168 = tpu.memref_slice %arg11[%add3A_161, %dma_wait3A_167] : memref<10112x128xf32, #tpu.memory_space<vmem_shared>> -> memref<80x128xf32, #tpu.memory_space<vmem_shared>>
    %dma_wait3A_169 = arith.constant 0 : i32
    %dma_wait3A_170 = tpu.memref_slice %arg11[%add3A_161, %dma_wait3A_169] : memref<10112x128xf32, #tpu.memory_space<vmem_shared>> -> memref<80x128xf32, #tpu.memory_space<vmem_shared>>
    %dma_wait3A_171 = arith.constant 0 : i32
    %dma_wait3A_172 = arith.constant 0 : i32
    %dma_wait3A_173 = tpu.memref_slice %arg9[%dma_wait3A_162, %dma_wait3A_171, %dma_wait3A_172] : memref<2x80x128xf32, #tpu.memory_space<vmem>> -> memref<1x80x128xf32, #tpu.memory_space<vmem>>
    %dma_wait3A_174 = tpu.memref_squeeze %dma_wait3A_173 : memref<1x80x128xf32, #tpu.memory_space<vmem>> -> memref<80x128xf32, #tpu.memory_space<vmem>>
    tpu.wait_dma2 semaphore(%arg16 : memref<!tpu.dma_semaphore, #tpu.memory_space<semaphore_mem>>) src(%dma_wait3A_174 : memref<80x128xf32, #tpu.memory_space<vmem>>) dst(%dma_wait3A_170 : memref<80x128xf32, #tpu.memory_space<vmem_shared>>)
    %add3A_175 = arith.constant 240 : i32
    %add3A_176 = arith.addi %mul3A_12, %add3A_175 : i32
    %dma_wait3A_177 = arith.constant 0 : i32
    %dma_wait3A_178 = arith.constant 0 : i32
    %dma_wait3A_179 = arith.constant 0 : i32
    %dma_wait3A_180 = tpu.memref_slice %arg9[%dma_wait3A_177, %dma_wait3A_178, %dma_wait3A_179] : memref<2x80x128xf32, #tpu.memory_space<vmem>> -> memref<1x80x128xf32, #tpu.memory_space<vmem>>
    %dma_wait3A_181 = tpu.memref_squeeze %dma_wait3A_180 : memref<1x80x128xf32, #tpu.memory_space<vmem>> -> memref<80x128xf32, #tpu.memory_space<vmem>>
    %dma_wait3A_182 = arith.constant 0 : i32
    %dma_wait3A_183 = tpu.memref_slice %arg11[%add3A_176, %dma_wait3A_182] : memref<10112x128xf32, #tpu.memory_space<vmem_shared>> -> memref<80x128xf32, #tpu.memory_space<vmem_shared>>
    %dma_wait3A_184 = arith.constant 0 : i32
    %dma_wait3A_185 = tpu.memref_slice %arg11[%add3A_176, %dma_wait3A_184] : memref<10112x128xf32, #tpu.memory_space<vmem_shared>> -> memref<80x128xf32, #tpu.memory_space<vmem_shared>>
    %dma_wait3A_186 = arith.constant 0 : i32
    %dma_wait3A_187 = arith.constant 0 : i32
    %dma_wait3A_188 = tpu.memref_slice %arg9[%dma_wait3A_177, %dma_wait3A_186, %dma_wait3A_187] : memref<2x80x128xf32, #tpu.memory_space<vmem>> -> memref<1x80x128xf32, #tpu.memory_space<vmem>>
    %dma_wait3A_189 = tpu.memref_squeeze %dma_wait3A_188 : memref<1x80x128xf32, #tpu.memory_space<vmem>> -> memref<80x128xf32, #tpu.memory_space<vmem>>
    tpu.wait_dma2 semaphore(%arg16 : memref<!tpu.dma_semaphore, #tpu.memory_space<semaphore_mem>>) src(%dma_wait3A_189 : memref<80x128xf32, #tpu.memory_space<vmem>>) dst(%dma_wait3A_185 : memref<80x128xf32, #tpu.memory_space<vmem_shared>>)
    %add3A_190 = arith.constant 320 : i32
    %add3A_191 = arith.addi %mul3A_12, %add3A_190 : i32
    %dma_wait3A_192 = arith.constant 0 : i32
    %dma_wait3A_193 = arith.constant 0 : i32
    %dma_wait3A_194 = arith.constant 0 : i32
    %dma_wait3A_195 = tpu.memref_slice %arg9[%dma_wait3A_192, %dma_wait3A_193, %dma_wait3A_194] : memref<2x80x128xf32, #tpu.memory_space<vmem>> -> memref<1x80x128xf32, #tpu.memory_space<vmem>>
    %dma_wait3A_196 = tpu.memref_squeeze %dma_wait3A_195 : memref<1x80x128xf32, #tpu.memory_space<vmem>> -> memref<80x128xf32, #tpu.memory_space<vmem>>
    %dma_wait3A_197 = arith.constant 0 : i32
    %dma_wait3A_198 = tpu.memref_slice %arg11[%add3A_191, %dma_wait3A_197] : memref<10112x128xf32, #tpu.memory_space<vmem_shared>> -> memref<80x128xf32, #tpu.memory_space<vmem_shared>>
    %dma_wait3A_199 = arith.constant 0 : i32
    %dma_wait3A_200 = tpu.memref_slice %arg11[%add3A_191, %dma_wait3A_199] : memref<10112x128xf32, #tpu.memory_space<vmem_shared>> -> memref<80x128xf32, #tpu.memory_space<vmem_shared>>
    %dma_wait3A_201 = arith.constant 0 : i32
    %dma_wait3A_202 = arith.constant 0 : i32
    %dma_wait3A_203 = tpu.memref_slice %arg9[%dma_wait3A_192, %dma_wait3A_201, %dma_wait3A_202] : memref<2x80x128xf32, #tpu.memory_space<vmem>> -> memref<1x80x128xf32, #tpu.memory_space<vmem>>
    %dma_wait3A_204 = tpu.memref_squeeze %dma_wait3A_203 : memref<1x80x128xf32, #tpu.memory_space<vmem>> -> memref<80x128xf32, #tpu.memory_space<vmem>>
    tpu.wait_dma2 semaphore(%arg16 : memref<!tpu.dma_semaphore, #tpu.memory_space<semaphore_mem>>) src(%dma_wait3A_204 : memref<80x128xf32, #tpu.memory_space<vmem>>) dst(%dma_wait3A_200 : memref<80x128xf32, #tpu.memory_space<vmem_shared>>)
    %add3A_205 = arith.constant 400 : i32
    %add3A_206 = arith.addi %mul3A_12, %add3A_205 : i32
    %dma_wait3A_207 = arith.constant 0 : i32
    %dma_wait3A_208 = arith.constant 0 : i32
    %dma_wait3A_209 = arith.constant 0 : i32
    %dma_wait3A_210 = tpu.memref_slice %arg9[%dma_wait3A_207, %dma_wait3A_208, %dma_wait3A_209] : memref<2x80x128xf32, #tpu.memory_space<vmem>> -> memref<1x80x128xf32, #tpu.memory_space<vmem>>
    %dma_wait3A_211 = tpu.memref_squeeze %dma_wait3A_210 : memref<1x80x128xf32, #tpu.memory_space<vmem>> -> memref<80x128xf32, #tpu.memory_space<vmem>>
    %dma_wait3A_212 = arith.constant 0 : i32
    %dma_wait3A_213 = tpu.memref_slice %arg11[%add3A_206, %dma_wait3A_212] : memref<10112x128xf32, #tpu.memory_space<vmem_shared>> -> memref<80x128xf32, #tpu.memory_space<vmem_shared>>
    %dma_wait3A_214 = arith.constant 0 : i32
    %dma_wait3A_215 = tpu.memref_slice %arg11[%add3A_206, %dma_wait3A_214] : memref<10112x128xf32, #tpu.memory_space<vmem_shared>> -> memref<80x128xf32, #tpu.memory_space<vmem_shared>>
    %dma_wait3A_216 = arith.constant 0 : i32
    %dma_wait3A_217 = arith.constant 0 : i32
    %dma_wait3A_218 = tpu.memref_slice %arg9[%dma_wait3A_207, %dma_wait3A_216, %dma_wait3A_217] : memref<2x80x128xf32, #tpu.memory_space<vmem>> -> memref<1x80x128xf32, #tpu.memory_space<vmem>>
    %dma_wait3A_219 = tpu.memref_squeeze %dma_wait3A_218 : memref<1x80x128xf32, #tpu.memory_space<vmem>> -> memref<80x128xf32, #tpu.memory_space<vmem>>
    tpu.wait_dma2 semaphore(%arg16 : memref<!tpu.dma_semaphore, #tpu.memory_space<semaphore_mem>>) src(%dma_wait3A_219 : memref<80x128xf32, #tpu.memory_space<vmem>>) dst(%dma_wait3A_215 : memref<80x128xf32, #tpu.memory_space<vmem_shared>>)
    %add3A_220 = arith.constant 480 : i32
    %add3A_221 = arith.addi %mul3A_12, %add3A_220 : i32
    %dma_wait3A_222 = arith.constant 0 : i32
    %dma_wait3A_223 = arith.constant 0 : i32
    %dma_wait3A_224 = arith.constant 0 : i32
    %dma_wait3A_225 = tpu.memref_slice %arg9[%dma_wait3A_222, %dma_wait3A_223, %dma_wait3A_224] : memref<2x80x128xf32, #tpu.memory_space<vmem>> -> memref<1x80x128xf32, #tpu.memory_space<vmem>>
    %dma_wait3A_226 = tpu.memref_squeeze %dma_wait3A_225 : memref<1x80x128xf32, #tpu.memory_space<vmem>> -> memref<80x128xf32, #tpu.memory_space<vmem>>
    %dma_wait3A_227 = arith.constant 0 : i32
    %dma_wait3A_228 = tpu.memref_slice %arg11[%add3A_221, %dma_wait3A_227] : memref<10112x128xf32, #tpu.memory_space<vmem_shared>> -> memref<80x128xf32, #tpu.memory_space<vmem_shared>>
    %dma_wait3A_229 = arith.constant 0 : i32
    %dma_wait3A_230 = tpu.memref_slice %arg11[%add3A_221, %dma_wait3A_229] : memref<10112x128xf32, #tpu.memory_space<vmem_shared>> -> memref<80x128xf32, #tpu.memory_space<vmem_shared>>
    %dma_wait3A_231 = arith.constant 0 : i32
    %dma_wait3A_232 = arith.constant 0 : i32
    %dma_wait3A_233 = tpu.memref_slice %arg9[%dma_wait3A_222, %dma_wait3A_231, %dma_wait3A_232] : memref<2x80x128xf32, #tpu.memory_space<vmem>> -> memref<1x80x128xf32, #tpu.memory_space<vmem>>
    %dma_wait3A_234 = tpu.memref_squeeze %dma_wait3A_233 : memref<1x80x128xf32, #tpu.memory_space<vmem>> -> memref<80x128xf32, #tpu.memory_space<vmem>>
    tpu.wait_dma2 semaphore(%arg16 : memref<!tpu.dma_semaphore, #tpu.memory_space<semaphore_mem>>) src(%dma_wait3A_234 : memref<80x128xf32, #tpu.memory_space<vmem>>) dst(%dma_wait3A_230 : memref<80x128xf32, #tpu.memory_space<vmem_shared>>)
    %add3A_235 = arith.constant 560 : i32
    %add3A_236 = arith.addi %mul3A_12, %add3A_235 : i32
    %dma_wait3A_237 = arith.constant 0 : i32
    %dma_wait3A_238 = arith.constant 0 : i32
    %dma_wait3A_239 = arith.constant 0 : i32
    %dma_wait3A_240 = tpu.memref_slice %arg9[%dma_wait3A_237, %dma_wait3A_238, %dma_wait3A_239] : memref<2x80x128xf32, #tpu.memory_space<vmem>> -> memref<1x72x128xf32, #tpu.memory_space<vmem>>
    %dma_wait3A_241 = tpu.memref_squeeze %dma_wait3A_240 : memref<1x72x128xf32, #tpu.memory_space<vmem>> -> memref<72x128xf32, #tpu.memory_space<vmem>>
    %dma_wait3A_242 = arith.constant 0 : i32
    %dma_wait3A_243 = tpu.memref_slice %arg11[%add3A_236, %dma_wait3A_242] : memref<10112x128xf32, #tpu.memory_space<vmem_shared>> -> memref<72x128xf32, #tpu.memory_space<vmem_shared>>
    %dma_wait3A_244 = arith.constant 0 : i32
    %dma_wait3A_245 = tpu.memref_slice %arg11[%add3A_236, %dma_wait3A_244] : memref<10112x128xf32, #tpu.memory_space<vmem_shared>> -> memref<72x128xf32, #tpu.memory_space<vmem_shared>>
    %dma_wait3A_246 = arith.constant 0 : i32
    %dma_wait3A_247 = tpu.memref_slice %arg9[%dma_wait3A_237, %dma_wait3A_238, %dma_wait3A_246] : memref<2x80x128xf32, #tpu.memory_space<vmem>> -> memref<1x72x128xf32, #tpu.memory_space<vmem>>
    %dma_wait3A_248 = tpu.memref_squeeze %dma_wait3A_247 : memref<1x72x128xf32, #tpu.memory_space<vmem>> -> memref<72x128xf32, #tpu.memory_space<vmem>>
    tpu.wait_dma2 semaphore(%arg16 : memref<!tpu.dma_semaphore, #tpu.memory_space<semaphore_mem>>) src(%dma_wait3A_248 : memref<72x128xf32, #tpu.memory_space<vmem>>) dst(%dma_wait3A_245 : memref<72x128xf32, #tpu.memory_space<vmem_shared>>)
    %while3A_249 = arith.constant 0 : i32
    %while3A_250 = arith.constant 0 : i32
    %while3A_251 = arith.constant 632 : i32
    %while3A_252 = arith.subi %while3A_251, %while3A_250 : i32
    %while3A_253 = arith.addi %while3A_250, %while3A_252 : i32
    %while3A_254 = arith.constant 1 : i32
    %while3A_255 = arith.divsi %while3A_252, %while3A_254 : i32
    %while3A_256 = arith.muli %while3A_255, %while3A_254 : i32
    %while3A_257 = arith.addi %while3A_250, %while3A_256 : i32
    %while3A_258 = arith.constant 1 : i32
    scf.for %while3A_378 = %while3A_250 to %while3A_257 step %while3A_258  : i32 {
      %broadcast_in_dim3A_379 = arith.constant 0.000000e+00 : f32
      %broadcast_in_dim3A_380 = vector.broadcast %broadcast_in_dim3A_379 : f32 to vector<16xf32>
      %mul3A_381 = arith.constant 16 : i32
      %mul3A_382 = arith.muli %while3A_378, %mul3A_381 : i32
      %swap3A = arith.index_cast %mul3A_382 : i32 to index
      %swap3A_383 = tpu.vector_load %arg10[%swap3A] {strides = array<i32>} : memref<10112xf32, #tpu.memory_space<vmem>>, vector<16xf32>,
      tpu.vector_store %arg10[%swap3A], %broadcast_in_dim3A_380 {strides = array<i32>} : memref<10112xf32, #tpu.memory_space<vmem>>, vector<16xf32>,
    }
    %while3A_259 = arith.constant 1 : i32
    scf.for %while3A_378 = %while3A_257 to %while3A_253 step %while3A_259  : i32 {
      %broadcast_in_dim3A_379 = arith.constant 0.000000e+00 : f32
      %broadcast_in_dim3A_380 = vector.broadcast %broadcast_in_dim3A_379 : f32 to vector<16xf32>
      %mul3A_381 = arith.constant 16 : i32
      %mul3A_382 = arith.muli %while3A_378, %mul3A_381 : i32
      %swap3A = arith.index_cast %mul3A_382 : i32 to index
      %swap3A_383 = tpu.vector_load %arg10[%swap3A] {strides = array<i32>} : memref<10112xf32, #tpu.memory_space<vmem>>, vector<16xf32>,
      tpu.vector_store %arg10[%swap3A], %broadcast_in_dim3A_380 {strides = array<i32>} : memref<10112xf32, #tpu.memory_space<vmem>>, vector<16xf32>,
    }
    %barrier3A = arith.constant 0 : index
    tpu.barrier barrier_id(%barrier3A)
    %broadcast_in_dim3A = arith.constant 1.000000e+00 : f32
    %broadcast_in_dim3A_260 = vector.broadcast %broadcast_in_dim3A : f32 to vector<16xf32>
    %dma_start3A_261 = arith.constant 0 : i32
    %dma_start3A_262 = arith.constant 0 : i32
    %dma_start3A_263 = arith.constant 0 : i32
    %dma_start3A_264 = tpu.memref_slice %arg7[%dma_start3A_262, %dma_start3A_263] : memref<2x80xi32, #tpu.memory_space<vmem>> -> memref<1x80xi32, #tpu.memory_space<vmem>>
    %dma_start3A_265 = tpu.memref_squeeze %dma_start3A_264 : memref<1x80xi32, #tpu.memory_space<vmem>> -> memref<80xi32, #tpu.memory_space<vmem>>
    %dma_start3A_266 = arith.constant 0 : i32
    %dma_start3A_267 = tpu.memref_slice %arg2[%add3A, %dma_start3A_261, %dma_start3A_266] : memref<32x126x80xi32, #tpu.memory_space<hbm>> -> memref<1x1x80xi32, #tpu.memory_space<hbm>>
    %dma_start3A_268 = tpu.memref_squeeze %dma_start3A_267 : memref<1x1x80xi32, #tpu.memory_space<hbm>> -> memref<80xi32, #tpu.memory_space<hbm>>
    %dma_start3A_269 = arith.constant 0 : i32
    %dma_start3A_270 = tpu.memref_slice %arg7[%dma_start3A_262, %dma_start3A_269] : memref<2x80xi32, #tpu.memory_space<vmem>> -> memref<1x80xi32, #tpu.memory_space<vmem>>
    %dma_start3A_271 = tpu.memref_squeeze %dma_start3A_270 : memref<1x80xi32, #tpu.memory_space<vmem>> -> memref<80xi32, #tpu.memory_space<vmem>>
    %dma_start3A_272 = arith.constant 0 : i32
    %dma_start3A_273 = tpu.memref_slice %arg2[%add3A, %dma_start3A_261, %dma_start3A_272] : memref<32x126x80xi32, #tpu.memory_space<hbm>> -> memref<1x1x80xi32, #tpu.memory_space<hbm>>
    %dma_start3A_274 = tpu.memref_squeeze %dma_start3A_273 : memref<1x1x80xi32, #tpu.memory_space<hbm>> -> memref<80xi32, #tpu.memory_space<hbm>>
    tpu.enqueue_dma source(%dma_start3A_274 : memref<80xi32, #tpu.memory_space<hbm>>) target(%dma_start3A_271 : memref<80xi32, #tpu.memory_space<vmem>>) target_semaphore(%arg14 : memref<!tpu.dma_semaphore, #tpu.memory_space<semaphore_mem>>)
    %dma_start3A_275 = arith.constant 0 : i32
    %dma_start3A_276 = arith.constant 0 : i32
    %dma_start3A_277 = arith.constant 0 : i32
    %dma_start3A_278 = tpu.memref_slice %arg8[%dma_start3A_276, %dma_start3A_277] : memref<2x80xi32, #tpu.memory_space<vmem>> -> memref<1x80xi32, #tpu.memory_space<vmem>>
    %dma_start3A_279 = tpu.memref_squeeze %dma_start3A_278 : memref<1x80xi32, #tpu.memory_space<vmem>> -> memref<80xi32, #tpu.memory_space<vmem>>
    %dma_start3A_280 = arith.constant 0 : i32
    %dma_start3A_281 = tpu.memref_slice %arg3[%add3A, %dma_start3A_275, %dma_start3A_280] : memref<32x126x80xi32, #tpu.memory_space<hbm>> -> memref<1x1x80xi32, #tpu.memory_space<hbm>>
    %dma_start3A_282 = tpu.memref_squeeze %dma_start3A_281 : memref<1x1x80xi32, #tpu.memory_space<hbm>> -> memref<80xi32, #tpu.memory_space<hbm>>
    %dma_start3A_283 = arith.constant 0 : i32
    %dma_start3A_284 = tpu.memref_slice %arg8[%dma_start3A_276, %dma_start3A_283] : memref<2x80xi32, #tpu.memory_space<vmem>> -> memref<1x80xi32, #tpu.memory_space<vmem>>
    %dma_start3A_285 = tpu.memref_squeeze %dma_start3A_284 : memref<1x80xi32, #tpu.memory_space<vmem>> -> memref<80xi32, #tpu.memory_space<vmem>>
    %dma_start3A_286 = arith.constant 0 : i32
    %dma_start3A_287 = tpu.memref_slice %arg3[%add3A, %dma_start3A_275, %dma_start3A_286] : memref<32x126x80xi32, #tpu.memory_space<hbm>> -> memref<1x1x80xi32, #tpu.memory_space<hbm>>
    %dma_start3A_288 = tpu.memref_squeeze %dma_start3A_287 : memref<1x1x80xi32, #tpu.memory_space<hbm>> -> memref<80xi32, #tpu.memory_space<hbm>>
    tpu.enqueue_dma source(%dma_start3A_288 : memref<80xi32, #tpu.memory_space<hbm>>) target(%dma_start3A_285 : memref<80xi32, #tpu.memory_space<vmem>>) target_semaphore(%arg14 : memref<!tpu.dma_semaphore, #tpu.memory_space<semaphore_mem>>)
    %dma_wait3A_289 = arith.constant 0 : i32
    %dma_wait3A_290 = arith.constant 0 : i32
    %dma_wait3A_291 = arith.constant 0 : i32
    %dma_wait3A_292 = tpu.memref_slice %arg7[%dma_wait3A_290, %dma_wait3A_291] : memref<2x80xi32, #tpu.memory_space<vmem>> -> memref<1x80xi32, #tpu.memory_space<vmem>>
    %dma_wait3A_293 = tpu.memref_squeeze %dma_wait3A_292 : memref<1x80xi32, #tpu.memory_space<vmem>> -> memref<80xi32, #tpu.memory_space<vmem>>
    %dma_wait3A_294 = arith.constant 0 : i32
    %dma_wait3A_295 = tpu.memref_slice %arg2[%add3A, %dma_wait3A_289, %dma_wait3A_294] : memref<32x126x80xi32, #tpu.memory_space<hbm>> -> memref<1x1x80xi32, #tpu.memory_space<hbm>>
    %dma_wait3A_296 = tpu.memref_squeeze %dma_wait3A_295 : memref<1x1x80xi32, #tpu.memory_space<hbm>> -> memref<80xi32, #tpu.memory_space<hbm>>
    %dma_wait3A_297 = arith.constant 0 : i32
    %dma_wait3A_298 = tpu.memref_slice %arg7[%dma_wait3A_290, %dma_wait3A_297] : memref<2x80xi32, #tpu.memory_space<vmem>> -> memref<1x80xi32, #tpu.memory_space<vmem>>
    %dma_wait3A_299 = tpu.memref_squeeze %dma_wait3A_298 : memref<1x80xi32, #tpu.memory_space<vmem>> -> memref<80xi32, #tpu.memory_space<vmem>>
    %dma_wait3A_300 = arith.constant 0 : i32
    %dma_wait3A_301 = tpu.memref_slice %arg2[%add3A, %dma_wait3A_289, %dma_wait3A_300] : memref<32x126x80xi32, #tpu.memory_space<hbm>> -> memref<1x1x80xi32, #tpu.memory_space<hbm>>
    %dma_wait3A_302 = tpu.memref_squeeze %dma_wait3A_301 : memref<1x1x80xi32, #tpu.memory_space<hbm>> -> memref<80xi32, #tpu.memory_space<hbm>>
    tpu.wait_dma2 semaphore(%arg14 : memref<!tpu.dma_semaphore, #tpu.memory_space<semaphore_mem>>) src(%dma_wait3A_302 : memref<80xi32, #tpu.memory_space<hbm>>) dst(%dma_wait3A_299 : memref<80xi32, #tpu.memory_space<vmem>>)
    %dma_wait3A_303 = arith.constant 0 : i32
    %dma_wait3A_304 = arith.constant 0 : i32
    %dma_wait3A_305 = arith.constant 0 : i32
    %dma_wait3A_306 = tpu.memref_slice %arg8[%dma_wait3A_304, %dma_wait3A_305] : memref<2x80xi32, #tpu.memory_space<vmem>> -> memref<1x80xi32, #tpu.memory_space<vmem>>
    %dma_wait3A_307 = tpu.memref_squeeze %dma_wait3A_306 : memref<1x80xi32, #tpu.memory_space<vmem>> -> memref<80xi32, #tpu.memory_space<vmem>>
    %dma_wait3A_308 = arith.constant 0 : i32
    %dma_wait3A_309 = tpu.memref_slice %arg3[%add3A, %dma_wait3A_303, %dma_wait3A_308] : memref<32x126x80xi32, #tpu.memory_space<hbm>> -> memref<1x1x80xi32, #tpu.memory_space<hbm>>
    %dma_wait3A_310 = tpu.memref_squeeze %dma_wait3A_309 : memref<1x1x80xi32, #tpu.memory_space<hbm>> -> memref<80xi32, #tpu.memory_space<hbm>>
    %dma_wait3A_311 = arith.constant 0 : i32
    %dma_wait3A_312 = tpu.memref_slice %arg8[%dma_wait3A_304, %dma_wait3A_311] : memref<2x80xi32, #tpu.memory_space<vmem>> -> memref<1x80xi32, #tpu.memory_space<vmem>>
    %dma_wait3A_313 = tpu.memref_squeeze %dma_wait3A_312 : memref<1x80xi32, #tpu.memory_space<vmem>> -> memref<80xi32, #tpu.memory_space<vmem>>
    %dma_wait3A_314 = arith.constant 0 : i32
    %dma_wait3A_315 = tpu.memref_slice %arg3[%add3A, %dma_wait3A_303, %dma_wait3A_314] : memref<32x126x80xi32, #tpu.memory_space<hbm>> -> memref<1x1x80xi32, #tpu.memory_space<hbm>>
    %dma_wait3A_316 = tpu.memref_squeeze %dma_wait3A_315 : memref<1x1x80xi32, #tpu.memory_space<hbm>> -> memref<80xi32, #tpu.memory_space<hbm>>
    tpu.wait_dma2 semaphore(%arg14 : memref<!tpu.dma_semaphore, #tpu.memory_space<semaphore_mem>>) src(%dma_wait3A_316 : memref<80xi32, #tpu.memory_space<hbm>>) dst(%dma_wait3A_313 : memref<80xi32, #tpu.memory_space<vmem>>)
    %dma_start3A_317 = arith.constant 0 : i32
    %dma_start3A_318 = arith.constant 0 : i32
    %dma_start3A_319 = arith.constant 0 : i32
    %dma_start3A_320 = arith.constant 0 : i32
    %dma_start3A_321 = tpu.memref_slice %arg9[%dma_start3A_318, %dma_start3A_319, %dma_start3A_320] : memref<2x80x128xf32, #tpu.memory_space<vmem>> -> memref<1x80x128xf32, #tpu.memory_space<vmem>>
    %dma_start3A_322 = tpu.memref_squeeze %dma_start3A_321 : memref<1x80x128xf32, #tpu.memory_space<vmem>> -> memref<80x128xf32, #tpu.memory_space<vmem>>
    %dma_start3A_323 = arith.constant 0 : i32
    %dma_start3A_324 = tpu.memref_slice %arg7[%dma_start3A_317, %dma_start3A_323] : memref<2x80xi32, #tpu.memory_space<vmem>> -> memref<1x80xi32, #tpu.memory_space<vmem>>
    %dma_start3A_325 = tpu.memref_squeeze %dma_start3A_324 : memref<1x80xi32, #tpu.memory_space<vmem>> -> memref<80xi32, #tpu.memory_space<vmem>>
    %dma_start3A_326 = arith.constant 0 : i32
    %dma_start3A_327 = arith.constant 0 : i32
    %dma_start3A_328 = tpu.memref_slice %arg4[%dma_start3A_326, %dma_start3A_327] : memref<10000x128xf32, #tpu.memory_space<hbm>> -> memref<10000x128xf32, #tpu.memory_space<hbm>>
    tpu.enqueue_indirect_dma source(%dma_start3A_328 : memref<10000x128xf32, #tpu.memory_space<hbm>>) target(%dma_start3A_322 : memref<80x128xf32, #tpu.memory_space<vmem>>) offsets(%dma_start3A_325 : memref<80xi32, #tpu.memory_space<vmem>>) semaphore(%arg12 : memref<!tpu.dma_semaphore, #tpu.memory_space<semaphore_mem>>)
    %dma_start3A_329 = arith.constant 1 : i32
    %dma_start3A_330 = arith.constant 1 : i32
    %dma_start3A_331 = arith.constant 0 : i32
    %dma_start3A_332 = tpu.memref_slice %arg7[%dma_start3A_330, %dma_start3A_331] : memref<2x80xi32, #tpu.memory_space<vmem>> -> memref<1x80xi32, #tpu.memory_space<vmem>>
    %dma_start3A_333 = tpu.memref_squeeze %dma_start3A_332 : memref<1x80xi32, #tpu.memory_space<vmem>> -> memref<80xi32, #tpu.memory_space<vmem>>
    %dma_start3A_334 = arith.constant 0 : i32
    %dma_start3A_335 = tpu.memref_slice %arg2[%add3A, %dma_start3A_329, %dma_start3A_334] : memref<32x126x80xi32, #tpu.memory_space<hbm>> -> memref<1x1x80xi32, #tpu.memory_space<hbm>>
    %dma_start3A_336 = tpu.memref_squeeze %dma_start3A_335 : memref<1x1x80xi32, #tpu.memory_space<hbm>> -> memref<80xi32, #tpu.memory_space<hbm>>
    %dma_start3A_337 = arith.constant 0 : i32
    %dma_start3A_338 = tpu.memref_slice %arg7[%dma_start3A_330, %dma_start3A_337] : memref<2x80xi32, #tpu.memory_space<vmem>> -> memref<1x80xi32, #tpu.memory_space<vmem>>
    %dma_start3A_339 = tpu.memref_squeeze %dma_start3A_338 : memref<1x80xi32, #tpu.memory_space<vmem>> -> memref<80xi32, #tpu.memory_space<vmem>>
    %dma_start3A_340 = arith.constant 0 : i32
    %dma_start3A_341 = tpu.memref_slice %arg2[%add3A, %dma_start3A_329, %dma_start3A_340] : memref<32x126x80xi32, #tpu.memory_space<hbm>> -> memref<1x1x80xi32, #tpu.memory_space<hbm>>
    %dma_start3A_342 = tpu.memref_squeeze %dma_start3A_341 : memref<1x1x80xi32, #tpu.memory_space<hbm>> -> memref<80xi32, #tpu.memory_space<hbm>>
    tpu.enqueue_dma source(%dma_start3A_342 : memref<80xi32, #tpu.memory_space<hbm>>) target(%dma_start3A_339 : memref<80xi32, #tpu.memory_space<vmem>>) target_semaphore(%arg15 : memref<!tpu.dma_semaphore, #tpu.memory_space<semaphore_mem>>)
    %dma_start3A_343 = arith.constant 1 : i32
    %dma_start3A_344 = arith.constant 1 : i32
    %dma_start3A_345 = arith.constant 0 : i32
    %dma_start3A_346 = tpu.memref_slice %arg8[%dma_start3A_344, %dma_start3A_345] : memref<2x80xi32, #tpu.memory_space<vmem>> -> memref<1x80xi32, #tpu.memory_space<vmem>>
    %dma_start3A_347 = tpu.memref_squeeze %dma_start3A_346 : memref<1x80xi32, #tpu.memory_space<vmem>> -> memref<80xi32, #tpu.memory_space<vmem>>
    %dma_start3A_348 = arith.constant 0 : i32
    %dma_start3A_349 = tpu.memref_slice %arg3[%add3A, %dma_start3A_343, %dma_start3A_348] : memref<32x126x80xi32, #tpu.memory_space<hbm>> -> memref<1x1x80xi32, #tpu.memory_space<hbm>>
    %dma_start3A_350 = tpu.memref_squeeze %dma_start3A_349 : memref<1x1x80xi32, #tpu.memory_space<hbm>> -> memref<80xi32, #tpu.memory_space<hbm>>
    %dma_start3A_351 = arith.constant 0 : i32
    %dma_start3A_352 = tpu.memref_slice %arg8[%dma_start3A_344, %dma_start3A_351] : memref<2x80xi32, #tpu.memory_space<vmem>> -> memref<1x80xi32, #tpu.memory_space<vmem>>
    %dma_start3A_353 = tpu.memref_squeeze %dma_start3A_352 : memref<1x80xi32, #tpu.memory_space<vmem>> -> memref<80xi32, #tpu.memory_space<vmem>>
    %dma_start3A_354 = arith.constant 0 : i32
    %dma_start3A_355 = tpu.memref_slice %arg3[%add3A, %dma_start3A_343, %dma_start3A_354] : memref<32x126x80xi32, #tpu.memory_space<hbm>> -> memref<1x1x80xi32, #tpu.memory_space<hbm>>
    %dma_start3A_356 = tpu.memref_squeeze %dma_start3A_355 : memref<1x1x80xi32, #tpu.memory_space<hbm>> -> memref<80xi32, #tpu.memory_space<hbm>>
    tpu.enqueue_dma source(%dma_start3A_356 : memref<80xi32, #tpu.memory_space<hbm>>) target(%dma_start3A_353 : memref<80xi32, #tpu.memory_space<vmem>>) target_semaphore(%arg15 : memref<!tpu.dma_semaphore, #tpu.memory_space<semaphore_mem>>)
    %while3A_357 = arith.constant 0 : i32
    %while3A_358 = arith.constant 0 : i32
    %while3A_359 = arith.constant 63 : i32
    %while3A_360 = arith.subi %while3A_359, %while3A_358 : i32
    %while3A_361 = arith.addi %while3A_358, %while3A_360 : i32
    %while3A_362 = arith.constant 1 : i32
    %while3A_363 = arith.divsi %while3A_360, %while3A_362 : i32
    %while3A_364 = arith.muli %while3A_363, %while3A_362 : i32
    %while3A_365 = arith.addi %while3A_358, %while3A_364 : i32
    %while3A_366 = arith.constant 1 : i32
    scf.for %while3A_378 = %while3A_358 to %while3A_365 step %while3A_366  : i32 {
      %mul3A_379 = arith.constant 2 : i32
      %mul3A_380 = arith.muli %while3A_378, %mul3A_379 : i32
      %lt3A = arith.constant 125 : i32
      %lt3A_381 = arith.cmpi slt, %mul3A_380, %lt3A : i32
      %convert_element_type3A_382 = arith.extui %lt3A_381 : i1 to i32
      %cond3A_383 = arith.constant 0 : i32
      %cond3A_384 = arith.cmpi ne, %convert_element_type3A_382, %cond3A_383 : i32
      scf.if %cond3A_384 {
        %dma_wait3A_525 = arith.constant 0 : i32
        %dma_wait3A_526 = arith.constant 1 : i32
        %dma_wait3A_527 = arith.constant 0 : i32
        %dma_wait3A_528 = tpu.memref_slice %arg7[%dma_wait3A_526, %dma_wait3A_527] : memref<2x80xi32, #tpu.memory_space<vmem>> -> memref<1x80xi32, #tpu.memory_space<vmem>>
        %dma_wait3A_529 = tpu.memref_squeeze %dma_wait3A_528 : memref<1x80xi32, #tpu.memory_space<vmem>> -> memref<80xi32, #tpu.memory_space<vmem>>
        %dma_wait3A_530 = arith.constant 0 : i32
        %dma_wait3A_531 = tpu.memref_slice %arg2[%add3A, %dma_wait3A_525, %dma_wait3A_530] : memref<32x126x80xi32, #tpu.memory_space<hbm>> -> memref<1x1x80xi32, #tpu.memory_space<hbm>>
        %dma_wait3A_532 = tpu.memref_squeeze %dma_wait3A_531 : memref<1x1x80xi32, #tpu.memory_space<hbm>> -> memref<80xi32, #tpu.memory_space<hbm>>
        %dma_wait3A_533 = arith.constant 0 : i32
        %dma_wait3A_534 = tpu.memref_slice %arg7[%dma_wait3A_526, %dma_wait3A_533] : memref<2x80xi32, #tpu.memory_space<vmem>> -> memref<1x80xi32, #tpu.memory_space<vmem>>
        %dma_wait3A_535 = tpu.memref_squeeze %dma_wait3A_534 : memref<1x80xi32, #tpu.memory_space<vmem>> -> memref<80xi32, #tpu.memory_space<vmem>>
        %dma_wait3A_536 = arith.constant 0 : i32
        %dma_wait3A_537 = tpu.memref_slice %arg2[%add3A, %dma_wait3A_525, %dma_wait3A_536] : memref<32x126x80xi32, #tpu.memory_space<hbm>> -> memref<1x1x80xi32, #tpu.memory_space<hbm>>
        %dma_wait3A_538 = tpu.memref_squeeze %dma_wait3A_537 : memref<1x1x80xi32, #tpu.memory_space<hbm>> -> memref<80xi32, #tpu.memory_space<hbm>>
        tpu.wait_dma2 semaphore(%arg15 : memref<!tpu.dma_semaphore, #tpu.memory_space<semaphore_mem>>) src(%dma_wait3A_538 : memref<80xi32, #tpu.memory_space<hbm>>) dst(%dma_wait3A_535 : memref<80xi32, #tpu.memory_space<vmem>>)
        %dma_wait3A_539 = arith.constant 0 : i32
        %dma_wait3A_540 = arith.constant 1 : i32
        %dma_wait3A_541 = arith.constant 0 : i32
        %dma_wait3A_542 = tpu.memref_slice %arg8[%dma_wait3A_540, %dma_wait3A_541] : memref<2x80xi32, #tpu.memory_space<vmem>> -> memref<1x80xi32, #tpu.memory_space<vmem>>
        %dma_wait3A_543 = tpu.memref_squeeze %dma_wait3A_542 : memref<1x80xi32, #tpu.memory_space<vmem>> -> memref<80xi32, #tpu.memory_space<vmem>>
        %dma_wait3A_544 = arith.constant 0 : i32
        %dma_wait3A_545 = tpu.memref_slice %arg3[%add3A, %dma_wait3A_539, %dma_wait3A_544] : memref<32x126x80xi32, #tpu.memory_space<hbm>> -> memref<1x1x80xi32, #tpu.memory_space<hbm>>
        %dma_wait3A_546 = tpu.memref_squeeze %dma_wait3A_545 : memref<1x1x80xi32, #tpu.memory_space<hbm>> -> memref<80xi32, #tpu.memory_space<hbm>>
        %dma_wait3A_547 = arith.constant 0 : i32
        %dma_wait3A_548 = tpu.memref_slice %arg8[%dma_wait3A_540, %dma_wait3A_547] : memref<2x80xi32, #tpu.memory_space<vmem>> -> memref<1x80xi32, #tpu.memory_space<vmem>>
        %dma_wait3A_549 = tpu.memref_squeeze %dma_wait3A_548 : memref<1x80xi32, #tpu.memory_space<vmem>> -> memref<80xi32, #tpu.memory_space<vmem>>
        %dma_wait3A_550 = arith.constant 0 : i32
        %dma_wait3A_551 = tpu.memref_slice %arg3[%add3A, %dma_wait3A_539, %dma_wait3A_550] : memref<32x126x80xi32, #tpu.memory_space<hbm>> -> memref<1x1x80xi32, #tpu.memory_space<hbm>>
        %dma_wait3A_552 = tpu.memref_squeeze %dma_wait3A_551 : memref<1x1x80xi32, #tpu.memory_space<hbm>> -> memref<80xi32, #tpu.memory_space<hbm>>
        tpu.wait_dma2 semaphore(%arg15 : memref<!tpu.dma_semaphore, #tpu.memory_space<semaphore_mem>>) src(%dma_wait3A_552 : memref<80xi32, #tpu.memory_space<hbm>>) dst(%dma_wait3A_549 : memref<80xi32, #tpu.memory_space<vmem>>)
        %dma_start3A_553 = arith.constant 1 : i32
        %dma_start3A_554 = arith.constant 1 : i32
        %dma_start3A_555 = arith.constant 0 : i32
        %dma_start3A_556 = arith.constant 0 : i32
        %dma_start3A_557 = tpu.memref_slice %arg9[%dma_start3A_554, %dma_start3A_555, %dma_start3A_556] : memref<2x80x128xf32, #tpu.memory_space<vmem>> -> memref<1x80x128xf32, #tpu.memory_space<vmem>>
        %dma_start3A_558 = tpu.memref_squeeze %dma_start3A_557 : memref<1x80x128xf32, #tpu.memory_space<vmem>> -> memref<80x128xf32, #tpu.memory_space<vmem>>
        %dma_start3A_559 = arith.constant 0 : i32
        %dma_start3A_560 = tpu.memref_slice %arg7[%dma_start3A_553, %dma_start3A_559] : memref<2x80xi32, #tpu.memory_space<vmem>> -> memref<1x80xi32, #tpu.memory_space<vmem>>
        %dma_start3A_561 = tpu.memref_squeeze %dma_start3A_560 : memref<1x80xi32, #tpu.memory_space<vmem>> -> memref<80xi32, #tpu.memory_space<vmem>>
        %dma_start3A_562 = arith.constant 0 : i32
        %dma_start3A_563 = arith.constant 0 : i32
        %dma_start3A_564 = tpu.memref_slice %arg4[%dma_start3A_562, %dma_start3A_563] : memref<10000x128xf32, #tpu.memory_space<hbm>> -> memref<10000x128xf32, #tpu.memory_space<hbm>>
        tpu.enqueue_indirect_dma source(%dma_start3A_564 : memref<10000x128xf32, #tpu.memory_space<hbm>>) target(%dma_start3A_558 : memref<80x128xf32, #tpu.memory_space<vmem>>) offsets(%dma_start3A_561 : memref<80xi32, #tpu.memory_space<vmem>>) semaphore(%arg13 : memref<!tpu.dma_semaphore, #tpu.memory_space<semaphore_mem>>)
      } else {
      }
      %dma_wait3A_385 = arith.constant 0 : i32
      %dma_wait3A_386 = arith.constant 0 : i32
      %dma_wait3A_387 = arith.constant 0 : i32
      %dma_wait3A_388 = arith.constant 0 : i32
      %dma_wait3A_389 = tpu.memref_slice %arg9[%dma_wait3A_386, %dma_wait3A_387, %dma_wait3A_388] : memref<2x80x128xf32, #tpu.memory_space<vmem>> -> memref<1x80x128xf32, #tpu.memory_space<vmem>>
      %dma_wait3A_390 = tpu.memref_squeeze %dma_wait3A_389 : memref<1x80x128xf32, #tpu.memory_space<vmem>> -> memref<80x128xf32, #tpu.memory_space<vmem>>
      %dma_wait3A_391 = arith.constant 0 : i32
      %dma_wait3A_392 = tpu.memref_slice %arg7[%dma_wait3A_385, %dma_wait3A_391] : memref<2x80xi32, #tpu.memory_space<vmem>> -> memref<1x80xi32, #tpu.memory_space<vmem>>
      %dma_wait3A_393 = tpu.memref_squeeze %dma_wait3A_392 : memref<1x80xi32, #tpu.memory_space<vmem>> -> memref<80xi32, #tpu.memory_space<vmem>>
      %dma_wait3A_394 = arith.constant 0 : i32
      %dma_wait3A_395 = arith.constant 0 : i32
      %dma_wait3A_396 = tpu.memref_slice %arg4[%dma_wait3A_394, %dma_wait3A_395] : memref<10000x128xf32, #tpu.memory_space<hbm>> -> memref<10000x128xf32, #tpu.memory_space<hbm>>
      tpu.wait_indirect_dma semaphore(%arg12 : memref<!tpu.dma_semaphore, #tpu.memory_space<semaphore_mem>>) src(%dma_wait3A_396 : memref<10000x128xf32, #tpu.memory_space<hbm>>) dst(%dma_wait3A_390 : memref<80x128xf32, #tpu.memory_space<vmem>>)
      %dma_start3A_397 = arith.constant 0 : i32
      %dma_start3A_398 = arith.constant 0 : i32
      %dma_start3A_399 = arith.constant 0 : i32
      %dma_start3A_400 = arith.constant 0 : i32
      %dma_start3A_401 = tpu.memref_slice %arg9[%dma_start3A_397, %dma_start3A_399, %dma_start3A_400] : memref<2x80x128xf32, #tpu.memory_space<vmem>> -> memref<1x80x128xf32, #tpu.memory_space<vmem>>
      %dma_start3A_402 = tpu.memref_squeeze %dma_start3A_401 : memref<1x80x128xf32, #tpu.memory_space<vmem>> -> memref<80x128xf32, #tpu.memory_space<vmem>>
      %dma_start3A_403 = arith.constant 0 : i32
      %dma_start3A_404 = tpu.memref_slice %arg8[%dma_start3A_398, %dma_start3A_403] : memref<2x80xi32, #tpu.memory_space<vmem>> -> memref<1x80xi32, #tpu.memory_space<vmem>>
      %dma_start3A_405 = tpu.memref_squeeze %dma_start3A_404 : memref<1x80xi32, #tpu.memory_space<vmem>> -> memref<80xi32, #tpu.memory_space<vmem>>
      %dma_start3A_406 = arith.constant 0 : i32
      %dma_start3A_407 = arith.constant 0 : i32
      %dma_start3A_408 = tpu.memref_slice %arg11[%dma_start3A_406, %dma_start3A_407] : memref<10112x128xf32, #tpu.memory_space<vmem_shared>> -> memref<10112x128xf32, #tpu.memory_space<vmem_shared>>
      tpu.enqueue_indirect_dma source(%dma_start3A_402 : memref<80x128xf32, #tpu.memory_space<vmem>>) target(%dma_start3A_408 : memref<10112x128xf32, #tpu.memory_space<vmem_shared>>) offsets(%dma_start3A_405 : memref<80xi32, #tpu.memory_space<vmem>>) semaphore(%arg16 : memref<!tpu.dma_semaphore, #tpu.memory_space<semaphore_mem>>) {add = true}
      %get3A = arith.constant 0 : i32
      %get3A_409 = arith.constant 0 : i32
      %get3A_410 = arith.index_cast %get3A : i32 to index
      %get3A_411 = arith.index_cast %get3A_409 : i32 to index
      %get3A_412 = tpu.vector_load %arg8[%get3A_410, %get3A_411] {strides = array<i32>} : memref<2x80xi32, #tpu.memory_space<vmem>>, vector<16xi32>,
      tpu.vector_store_idx %arg10[%get3A_412], %broadcast_in_dim3A_260 {add = true} : memref<10112xf32, #tpu.memory_space<vmem>>[vector<16xi32>], vector<16xf32>,
      %get3A_413 = arith.constant 0 : i32
      %get3A_414 = arith.constant 16 : i32
      %get3A_415 = arith.index_cast %get3A_413 : i32 to index
      %get3A_416 = arith.index_cast %get3A_414 : i32 to index
      %get3A_417 = tpu.vector_load %arg8[%get3A_415, %get3A_416] {strides = array<i32>} : memref<2x80xi32, #tpu.memory_space<vmem>>, vector<16xi32>,
      tpu.vector_store_idx %arg10[%get3A_417], %broadcast_in_dim3A_260 {add = true} : memref<10112xf32, #tpu.memory_space<vmem>>[vector<16xi32>], vector<16xf32>,
      %get3A_418 = arith.constant 0 : i32
      %get3A_419 = arith.constant 32 : i32
      %get3A_420 = arith.index_cast %get3A_418 : i32 to index
      %get3A_421 = arith.index_cast %get3A_419 : i32 to index
      %get3A_422 = tpu.vector_load %arg8[%get3A_420, %get3A_421] {strides = array<i32>} : memref<2x80xi32, #tpu.memory_space<vmem>>, vector<16xi32>,
      tpu.vector_store_idx %arg10[%get3A_422], %broadcast_in_dim3A_260 {add = true} : memref<10112xf32, #tpu.memory_space<vmem>>[vector<16xi32>], vector<16xf32>,
      %get3A_423 = arith.constant 0 : i32
      %get3A_424 = arith.constant 48 : i32
      %get3A_425 = arith.index_cast %get3A_423 : i32 to index
      %get3A_426 = arith.index_cast %get3A_424 : i32 to index
      %get3A_427 = tpu.vector_load %arg8[%get3A_425, %get3A_426] {strides = array<i32>} : memref<2x80xi32, #tpu.memory_space<vmem>>, vector<16xi32>,
      tpu.vector_store_idx %arg10[%get3A_427], %broadcast_in_dim3A_260 {add = true} : memref<10112xf32, #tpu.memory_space<vmem>>[vector<16xi32>], vector<16xf32>,
      %get3A_428 = arith.constant 0 : i32
      %get3A_429 = arith.constant 64 : i32
      %get3A_430 = arith.index_cast %get3A_428 : i32 to index
      %get3A_431 = arith.index_cast %get3A_429 : i32 to index
      %get3A_432 = tpu.vector_load %arg8[%get3A_430, %get3A_431] {strides = array<i32>} : memref<2x80xi32, #tpu.memory_space<vmem>>, vector<16xi32>,
      tpu.vector_store_idx %arg10[%get3A_432], %broadcast_in_dim3A_260 {add = true} : memref<10112xf32, #tpu.memory_space<vmem>>[vector<16xi32>], vector<16xf32>,
      %dma_wait3A_433 = arith.constant 0 : i32
      %dma_wait3A_434 = arith.constant 0 : i32
      %dma_wait3A_435 = arith.constant 0 : i32
      %dma_wait3A_436 = arith.constant 0 : i32
      %dma_wait3A_437 = tpu.memref_slice %arg9[%dma_wait3A_433, %dma_wait3A_435, %dma_wait3A_436] : memref<2x80x128xf32, #tpu.memory_space<vmem>> -> memref<1x80x128xf32, #tpu.memory_space<vmem>>
      %dma_wait3A_438 = tpu.memref_squeeze %dma_wait3A_437 : memref<1x80x128xf32, #tpu.memory_space<vmem>> -> memref<80x128xf32, #tpu.memory_space<vmem>>
      %dma_wait3A_439 = arith.constant 0 : i32
      %dma_wait3A_440 = tpu.memref_slice %arg8[%dma_wait3A_434, %dma_wait3A_439] : memref<2x80xi32, #tpu.memory_space<vmem>> -> memref<1x80xi32, #tpu.memory_space<vmem>>
      %dma_wait3A_441 = tpu.memref_squeeze %dma_wait3A_440 : memref<1x80xi32, #tpu.memory_space<vmem>> -> memref<80xi32, #tpu.memory_space<vmem>>
      %dma_wait3A_442 = arith.constant 0 : i32
      %dma_wait3A_443 = arith.constant 0 : i32
      %dma_wait3A_444 = tpu.memref_slice %arg11[%dma_wait3A_442, %dma_wait3A_443] : memref<10112x128xf32, #tpu.memory_space<vmem_shared>> -> memref<10112x128xf32, #tpu.memory_space<vmem_shared>>
      tpu.wait_indirect_dma semaphore(%arg16 : memref<!tpu.dma_semaphore, #tpu.memory_space<semaphore_mem>>) src(%dma_wait3A_438 : memref<80x128xf32, #tpu.memory_space<vmem>>) dst(%dma_wait3A_444 : memref<10112x128xf32, #tpu.memory_space<vmem_shared>>)
      %lt3A_445 = arith.constant 124 : i32
      %lt3A_446 = arith.cmpi slt, %mul3A_380, %lt3A_445 : i32
      %convert_element_type3A_447 = arith.extui %lt3A_446 : i1 to i32
      %cond3A_448 = arith.constant 0 : i32
      %cond3A_449 = arith.cmpi ne, %convert_element_type3A_447, %cond3A_448 : i32
      scf.if %cond3A_449 {
        %add3A_525 = arith.constant 2 : i32
        %add3A_526 = arith.addi %mul3A_380, %add3A_525 : i32
        %dma_start3A_527 = arith.constant 0 : i32
        %dma_start3A_528 = arith.constant 0 : i32
        %dma_start3A_529 = tpu.memref_slice %arg7[%dma_start3A_527, %dma_start3A_528] : memref<2x80xi32, #tpu.memory_space<vmem>> -> memref<1x80xi32, #tpu.memory_space<vmem>>
        %dma_start3A_530 = tpu.memref_squeeze %dma_start3A_529 : memref<1x80xi32, #tpu.memory_space<vmem>> -> memref<80xi32, #tpu.memory_space<vmem>>
        %dma_start3A_531 = arith.constant 0 : i32
        %dma_start3A_532 = tpu.memref_slice %arg2[%add3A, %add3A_526, %dma_start3A_531] : memref<32x126x80xi32, #tpu.memory_space<hbm>> -> memref<1x1x80xi32, #tpu.memory_space<hbm>>
        %dma_start3A_533 = tpu.memref_squeeze %dma_start3A_532 : memref<1x1x80xi32, #tpu.memory_space<hbm>> -> memref<80xi32, #tpu.memory_space<hbm>>
        %dma_start3A_534 = arith.constant 0 : i32
        %dma_start3A_535 = tpu.memref_slice %arg7[%dma_start3A_527, %dma_start3A_534] : memref<2x80xi32, #tpu.memory_space<vmem>> -> memref<1x80xi32, #tpu.memory_space<vmem>>
        %dma_start3A_536 = tpu.memref_squeeze %dma_start3A_535 : memref<1x80xi32, #tpu.memory_space<vmem>> -> memref<80xi32, #tpu.memory_space<vmem>>
        %dma_start3A_537 = arith.constant 0 : i32
        %dma_start3A_538 = tpu.memref_slice %arg2[%add3A, %add3A_526, %dma_start3A_537] : memref<32x126x80xi32, #tpu.memory_space<hbm>> -> memref<1x1x80xi32, #tpu.memory_space<hbm>>
        %dma_start3A_539 = tpu.memref_squeeze %dma_start3A_538 : memref<1x1x80xi32, #tpu.memory_space<hbm>> -> memref<80xi32, #tpu.memory_space<hbm>>
        tpu.enqueue_dma source(%dma_start3A_539 : memref<80xi32, #tpu.memory_space<hbm>>) target(%dma_start3A_536 : memref<80xi32, #tpu.memory_space<vmem>>) target_semaphore(%arg14 : memref<!tpu.dma_semaphore, #tpu.memory_space<semaphore_mem>>)
        %dma_start3A_540 = arith.constant 0 : i32
        %dma_start3A_541 = arith.constant 0 : i32
        %dma_start3A_542 = tpu.memref_slice %arg8[%dma_start3A_540, %dma_start3A_541] : memref<2x80xi32, #tpu.memory_space<vmem>> -> memref<1x80xi32, #tpu.memory_space<vmem>>
        %dma_start3A_543 = tpu.memref_squeeze %dma_start3A_542 : memref<1x80xi32, #tpu.memory_space<vmem>> -> memref<80xi32, #tpu.memory_space<vmem>>
        %dma_start3A_544 = arith.constant 0 : i32
        %dma_start3A_545 = tpu.memref_slice %arg3[%add3A, %add3A_526, %dma_start3A_544] : memref<32x126x80xi32, #tpu.memory_space<hbm>> -> memref<1x1x80xi32, #tpu.memory_space<hbm>>
        %dma_start3A_546 = tpu.memref_squeeze %dma_start3A_545 : memref<1x1x80xi32, #tpu.memory_space<hbm>> -> memref<80xi32, #tpu.memory_space<hbm>>
        %dma_start3A_547 = arith.constant 0 : i32
        %dma_start3A_548 = tpu.memref_slice %arg8[%dma_start3A_540, %dma_start3A_547] : memref<2x80xi32, #tpu.memory_space<vmem>> -> memref<1x80xi32, #tpu.memory_space<vmem>>
        %dma_start3A_549 = tpu.memref_squeeze %dma_start3A_548 : memref<1x80xi32, #tpu.memory_space<vmem>> -> memref<80xi32, #tpu.memory_space<vmem>>
        %dma_start3A_550 = arith.constant 0 : i32
        %dma_start3A_551 = tpu.memref_slice %arg3[%add3A, %add3A_526, %dma_start3A_550] : memref<32x126x80xi32, #tpu.memory_space<hbm>> -> memref<1x1x80xi32, #tpu.memory_space<hbm>>
        %dma_start3A_552 = tpu.memref_squeeze %dma_start3A_551 : memref<1x1x80xi32, #tpu.memory_space<hbm>> -> memref<80xi32, #tpu.memory_space<hbm>>
        tpu.enqueue_dma source(%dma_start3A_552 : memref<80xi32, #tpu.memory_space<hbm>>) target(%dma_start3A_549 : memref<80xi32, #tpu.memory_space<vmem>>) target_semaphore(%arg14 : memref<!tpu.dma_semaphore, #tpu.memory_space<semaphore_mem>>)
      } else {
      }
      %mul3A_450 = arith.constant 2 : i32
      %mul3A_451 = arith.muli %while3A_378, %mul3A_450 : i32
      %add3A_452 = arith.constant 1 : i32
      %add3A_453 = arith.addi %mul3A_451, %add3A_452 : i32
      %lt3A_454 = arith.constant 125 : i32
      %lt3A_455 = arith.cmpi slt, %add3A_453, %lt3A_454 : i32
      %convert_element_type3A_456 = arith.extui %lt3A_455 : i1 to i32
      %cond3A_457 = arith.constant 0 : i32
      %cond3A_458 = arith.cmpi ne, %convert_element_type3A_456, %cond3A_457 : i32
      scf.if %cond3A_458 {
        %dma_wait3A_525 = arith.constant 0 : i32
        %dma_wait3A_526 = arith.constant 0 : i32
        %dma_wait3A_527 = arith.constant 0 : i32
        %dma_wait3A_528 = tpu.memref_slice %arg7[%dma_wait3A_526, %dma_wait3A_527] : memref<2x80xi32, #tpu.memory_space<vmem>> -> memref<1x80xi32, #tpu.memory_space<vmem>>
        %dma_wait3A_529 = tpu.memref_squeeze %dma_wait3A_528 : memref<1x80xi32, #tpu.memory_space<vmem>> -> memref<80xi32, #tpu.memory_space<vmem>>
        %dma_wait3A_530 = arith.constant 0 : i32
        %dma_wait3A_531 = tpu.memref_slice %arg2[%add3A, %dma_wait3A_525, %dma_wait3A_530] : memref<32x126x80xi32, #tpu.memory_space<hbm>> -> memref<1x1x80xi32, #tpu.memory_space<hbm>>
        %dma_wait3A_532 = tpu.memref_squeeze %dma_wait3A_531 : memref<1x1x80xi32, #tpu.memory_space<hbm>> -> memref<80xi32, #tpu.memory_space<hbm>>
        %dma_wait3A_533 = arith.constant 0 : i32
        %dma_wait3A_534 = tpu.memref_slice %arg7[%dma_wait3A_526, %dma_wait3A_533] : memref<2x80xi32, #tpu.memory_space<vmem>> -> memref<1x80xi32, #tpu.memory_space<vmem>>
        %dma_wait3A_535 = tpu.memref_squeeze %dma_wait3A_534 : memref<1x80xi32, #tpu.memory_space<vmem>> -> memref<80xi32, #tpu.memory_space<vmem>>
        %dma_wait3A_536 = arith.constant 0 : i32
        %dma_wait3A_537 = tpu.memref_slice %arg2[%add3A, %dma_wait3A_525, %dma_wait3A_536] : memref<32x126x80xi32, #tpu.memory_space<hbm>> -> memref<1x1x80xi32, #tpu.memory_space<hbm>>
        %dma_wait3A_538 = tpu.memref_squeeze %dma_wait3A_537 : memref<1x1x80xi32, #tpu.memory_space<hbm>> -> memref<80xi32, #tpu.memory_space<hbm>>
        tpu.wait_dma2 semaphore(%arg14 : memref<!tpu.dma_semaphore, #tpu.memory_space<semaphore_mem>>) src(%dma_wait3A_538 : memref<80xi32, #tpu.memory_space<hbm>>) dst(%dma_wait3A_535 : memref<80xi32, #tpu.memory_space<vmem>>)
        %dma_wait3A_539 = arith.constant 0 : i32
        %dma_wait3A_540 = arith.constant 0 : i32
        %dma_wait3A_541 = arith.constant 0 : i32
        %dma_wait3A_542 = tpu.memref_slice %arg8[%dma_wait3A_540, %dma_wait3A_541] : memref<2x80xi32, #tpu.memory_space<vmem>> -> memref<1x80xi32, #tpu.memory_space<vmem>>
        %dma_wait3A_543 = tpu.memref_squeeze %dma_wait3A_542 : memref<1x80xi32, #tpu.memory_space<vmem>> -> memref<80xi32, #tpu.memory_space<vmem>>
        %dma_wait3A_544 = arith.constant 0 : i32
        %dma_wait3A_545 = tpu.memref_slice %arg3[%add3A, %dma_wait3A_539, %dma_wait3A_544] : memref<32x126x80xi32, #tpu.memory_space<hbm>> -> memref<1x1x80xi32, #tpu.memory_space<hbm>>
        %dma_wait3A_546 = tpu.memref_squeeze %dma_wait3A_545 : memref<1x1x80xi32, #tpu.memory_space<hbm>> -> memref<80xi32, #tpu.memory_space<hbm>>
        %dma_wait3A_547 = arith.constant 0 : i32
        %dma_wait3A_548 = tpu.memref_slice %arg8[%dma_wait3A_540, %dma_wait3A_547] : memref<2x80xi32, #tpu.memory_space<vmem>> -> memref<1x80xi32, #tpu.memory_space<vmem>>
        %dma_wait3A_549 = tpu.memref_squeeze %dma_wait3A_548 : memref<1x80xi32, #tpu.memory_space<vmem>> -> memref<80xi32, #tpu.memory_space<vmem>>
        %dma_wait3A_550 = arith.constant 0 : i32
        %dma_wait3A_551 = tpu.memref_slice %arg3[%add3A, %dma_wait3A_539, %dma_wait3A_550] : memref<32x126x80xi32, #tpu.memory_space<hbm>> -> memref<1x1x80xi32, #tpu.memory_space<hbm>>
        %dma_wait3A_552 = tpu.memref_squeeze %dma_wait3A_551 : memref<1x1x80xi32, #tpu.memory_space<hbm>> -> memref<80xi32, #tpu.memory_space<hbm>>
        tpu.wait_dma2 semaphore(%arg14 : memref<!tpu.dma_semaphore, #tpu.memory_space<semaphore_mem>>) src(%dma_wait3A_552 : memref<80xi32, #tpu.memory_space<hbm>>) dst(%dma_wait3A_549 : memref<80xi32, #tpu.memory_space<vmem>>)
        %dma_start3A_553 = arith.constant 0 : i32
        %dma_start3A_554 = arith.constant 0 : i32
        %dma_start3A_555 = arith.constant 0 : i32
        %dma_start3A_556 = arith.constant 0 : i32
        %dma_start3A_557 = tpu.memref_slice %arg9[%dma_start3A_554, %dma_start3A_555, %dma_start3A_556] : memref<2x80x128xf32, #tpu.memory_space<vmem>> -> memref<1x80x128xf32, #tpu.memory_space<vmem>>
        %dma_start3A_558 = tpu.memref_squeeze %dma_start3A_557 : memref<1x80x128xf32, #tpu.memory_space<vmem>> -> memref<80x128xf32, #tpu.memory_space<vmem>>
        %dma_start3A_559 = arith.constant 0 : i32
        %dma_start3A_560 = tpu.memref_slice %arg7[%dma_start3A_553, %dma_start3A_559] : memref<2x80xi32, #tpu.memory_space<vmem>> -> memref<1x80xi32, #tpu.memory_space<vmem>>
        %dma_start3A_561 = tpu.memref_squeeze %dma_start3A_560 : memref<1x80xi32, #tpu.memory_space<vmem>> -> memref<80xi32, #tpu.memory_space<vmem>>
        %dma_start3A_562 = arith.constant 0 : i32
        %dma_start3A_563 = arith.constant 0 : i32
        %dma_start3A_564 = tpu.memref_slice %arg4[%dma_start3A_562, %dma_start3A_563] : memref<10000x128xf32, #tpu.memory_space<hbm>> -> memref<10000x128xf32, #tpu.memory_space<hbm>>
        tpu.enqueue_indirect_dma source(%dma_start3A_564 : memref<10000x128xf32, #tpu.memory_space<hbm>>) target(%dma_start3A_558 : memref<80x128xf32, #tpu.memory_space<vmem>>) offsets(%dma_start3A_561 : memref<80xi32, #tpu.memory_space<vmem>>) semaphore(%arg12 : memref<!tpu.dma_semaphore, #tpu.memory_space<semaphore_mem>>)
      } else {
      }
      %dma_wait3A_459 = arith.constant 0 : i32
      %dma_wait3A_460 = arith.constant 1 : i32
      %dma_wait3A_461 = arith.constant 0 : i32
      %dma_wait3A_462 = arith.constant 0 : i32
      %dma_wait3A_463 = tpu.memref_slice %arg9[%dma_wait3A_460, %dma_wait3A_461, %dma_wait3A_462] : memref<2x80x128xf32, #tpu.memory_space<vmem>> -> memref<1x80x128xf32, #tpu.memory_space<vmem>>
      %dma_wait3A_464 = tpu.memref_squeeze %dma_wait3A_463 : memref<1x80x128xf32, #tpu.memory_space<vmem>> -> memref<80x128xf32, #tpu.memory_space<vmem>>
      %dma_wait3A_465 = arith.constant 0 : i32
      %dma_wait3A_466 = tpu.memref_slice %arg7[%dma_wait3A_459, %dma_wait3A_465] : memref<2x80xi32, #tpu.memory_space<vmem>> -> memref<1x80xi32, #tpu.memory_space<vmem>>
      %dma_wait3A_467 = tpu.memref_squeeze %dma_wait3A_466 : memref<1x80xi32, #tpu.memory_space<vmem>> -> memref<80xi32, #tpu.memory_space<vmem>>
      %dma_wait3A_468 = arith.constant 0 : i32
      %dma_wait3A_469 = arith.constant 0 : i32
      %dma_wait3A_470 = tpu.memref_slice %arg4[%dma_wait3A_468, %dma_wait3A_469] : memref<10000x128xf32, #tpu.memory_space<hbm>> -> memref<10000x128xf32, #tpu.memory_space<hbm>>
      tpu.wait_indirect_dma semaphore(%arg13 : memref<!tpu.dma_semaphore, #tpu.memory_space<semaphore_mem>>) src(%dma_wait3A_470 : memref<10000x128xf32, #tpu.memory_space<hbm>>) dst(%dma_wait3A_464 : memref<80x128xf32, #tpu.memory_space<vmem>>)
      %dma_start3A_471 = arith.constant 1 : i32
      %dma_start3A_472 = arith.constant 1 : i32
      %dma_start3A_473 = arith.constant 0 : i32
      %dma_start3A_474 = arith.constant 0 : i32
      %dma_start3A_475 = tpu.memref_slice %arg9[%dma_start3A_471, %dma_start3A_473, %dma_start3A_474] : memref<2x80x128xf32, #tpu.memory_space<vmem>> -> memref<1x80x128xf32, #tpu.memory_space<vmem>>
      %dma_start3A_476 = tpu.memref_squeeze %dma_start3A_475 : memref<1x80x128xf32, #tpu.memory_space<vmem>> -> memref<80x128xf32, #tpu.memory_space<vmem>>
      %dma_start3A_477 = arith.constant 0 : i32
      %dma_start3A_478 = tpu.memref_slice %arg8[%dma_start3A_472, %dma_start3A_477] : memref<2x80xi32, #tpu.memory_space<vmem>> -> memref<1x80xi32, #tpu.memory_space<vmem>>
      %dma_start3A_479 = tpu.memref_squeeze %dma_start3A_478 : memref<1x80xi32, #tpu.memory_space<vmem>> -> memref<80xi32, #tpu.memory_space<vmem>>
      %dma_start3A_480 = arith.constant 0 : i32
      %dma_start3A_481 = arith.constant 0 : i32
      %dma_start3A_482 = tpu.memref_slice %arg11[%dma_start3A_480, %dma_start3A_481] : memref<10112x128xf32, #tpu.memory_space<vmem_shared>> -> memref<10112x128xf32, #tpu.memory_space<vmem_shared>>
      tpu.enqueue_indirect_dma source(%dma_start3A_476 : memref<80x128xf32, #tpu.memory_space<vmem>>) target(%dma_start3A_482 : memref<10112x128xf32, #tpu.memory_space<vmem_shared>>) offsets(%dma_start3A_479 : memref<80xi32, #tpu.memory_space<vmem>>) semaphore(%arg16 : memref<!tpu.dma_semaphore, #tpu.memory_space<semaphore_mem>>) {add = true}
      %get3A_483 = arith.constant 1 : i32
      %get3A_484 = arith.constant 0 : i32
      %get3A_485 = arith.index_cast %get3A_483 : i32 to index
      %get3A_486 = arith.index_cast %get3A_484 : i32 to index
      %get3A_487 = tpu.vector_load %arg8[%get3A_485, %get3A_486] {strides = array<i32>} : memref<2x80xi32, #tpu.memory_space<vmem>>, vector<16xi32>,
      tpu.vector_store_idx %arg10[%get3A_487], %broadcast_in_dim3A_260 {add = true} : memref<10112xf32, #tpu.memory_space<vmem>>[vector<16xi32>], vector<16xf32>,
      %get3A_488 = arith.constant 1 : i32
      %get3A_489 = arith.constant 16 : i32
      %get3A_490 = arith.index_cast %get3A_488 : i32 to index
      %get3A_491 = arith.index_cast %get3A_489 : i32 to index
      %get3A_492 = tpu.vector_load %arg8[%get3A_490, %get3A_491] {strides = array<i32>} : memref<2x80xi32, #tpu.memory_space<vmem>>, vector<16xi32>,
      tpu.vector_store_idx %arg10[%get3A_492], %broadcast_in_dim3A_260 {add = true} : memref<10112xf32, #tpu.memory_space<vmem>>[vector<16xi32>], vector<16xf32>,
      %get3A_493 = arith.constant 1 : i32
      %get3A_494 = arith.constant 32 : i32
      %get3A_495 = arith.index_cast %get3A_493 : i32 to index
      %get3A_496 = arith.index_cast %get3A_494 : i32 to index
      %get3A_497 = tpu.vector_load %arg8[%get3A_495, %get3A_496] {strides = array<i32>} : memref<2x80xi32, #tpu.memory_space<vmem>>, vector<16xi32>,
      tpu.vector_store_idx %arg10[%get3A_497], %broadcast_in_dim3A_260 {add = true} : memref<10112xf32, #tpu.memory_space<vmem>>[vector<16xi32>], vector<16xf32>,
      %get3A_498 = arith.constant 1 : i32
      %get3A_499 = arith.constant 48 : i32
      %get3A_500 = arith.index_cast %get3A_498 : i32 to index
      %get3A_501 = arith.index_cast %get3A_499 : i32 to index
      %get3A_502 = tpu.vector_load %arg8[%get3A_500, %get3A_501] {strides = array<i32>} : memref<2x80xi32, #tpu.memory_space<vmem>>, vector<16xi32>,
      tpu.vector_store_idx %arg10[%get3A_502], %broadcast_in_dim3A_260 {add = true} : memref<10112xf32, #tpu.memory_space<vmem>>[vector<16xi32>], vector<16xf32>,
      %get3A_503 = arith.constant 1 : i32
      %get3A_504 = arith.constant 64 : i32
      %get3A_505 = arith.index_cast %get3A_503 : i32 to index
      %get3A_506 = arith.index_cast %get3A_504 : i32 to index
      %get3A_507 = tpu.vector_load %arg8[%get3A_505, %get3A_506] {strides = array<i32>} : memref<2x80xi32, #tpu.memory_space<vmem>>, vector<16xi32>,
      tpu.vector_store_idx %arg10[%get3A_507], %broadcast_in_dim3A_260 {add = true} : memref<10112xf32, #tpu.memory_space<vmem>>[vector<16xi32>], vector<16xf32>,
      %dma_wait3A_508 = arith.constant 1 : i32
      %dma_wait3A_509 = arith.constant 1 : i32
      %dma_wait3A_510 = arith.constant 0 : i32
      %dma_wait3A_511 = arith.constant 0 : i32
      %dma_wait3A_512 = tpu.memref_slice %arg9[%dma_wait3A_508, %dma_wait3A_510, %dma_wait3A_511] : memref<2x80x128xf32, #tpu.memory_space<vmem>> -> memref<1x80x128xf32, #tpu.memory_space<vmem>>
      %dma_wait3A_513 = tpu.memref_squeeze %dma_wait3A_512 : memref<1x80x128xf32, #tpu.memory_space<vmem>> -> memref<80x128xf32, #tpu.memory_space<vmem>>
      %dma_wait3A_514 = arith.constant 0 : i32
      %dma_wait3A_515 = tpu.memref_slice %arg8[%dma_wait3A_509, %dma_wait3A_514] : memref<2x80xi32, #tpu.memory_space<vmem>> -> memref<1x80xi32, #tpu.memory_space<vmem>>
      %dma_wait3A_516 = tpu.memref_squeeze %dma_wait3A_515 : memref<1x80xi32, #tpu.memory_space<vmem>> -> memref<80xi32, #tpu.memory_space<vmem>>
      %dma_wait3A_517 = arith.constant 0 : i32
      %dma_wait3A_518 = arith.constant 0 : i32
      %dma_wait3A_519 = tpu.memref_slice %arg11[%dma_wait3A_517, %dma_wait3A_518] : memref<10112x128xf32, #tpu.memory_space<vmem_shared>> -> memref<10112x128xf32, #tpu.memory_space<vmem_shared>>
      tpu.wait_indirect_dma semaphore(%arg16 : memref<!tpu.dma_semaphore, #tpu.memory_space<semaphore_mem>>) src(%dma_wait3A_513 : memref<80x128xf32, #tpu.memory_space<vmem>>) dst(%dma_wait3A_519 : memref<10112x128xf32, #tpu.memory_space<vmem_shared>>)
      %lt3A_520 = arith.constant 124 : i32
      %lt3A_521 = arith.cmpi slt, %add3A_453, %lt3A_520 : i32
      %convert_element_type3A_522 = arith.extui %lt3A_521 : i1 to i32
      %cond3A_523 = arith.constant 0 : i32
      %cond3A_524 = arith.cmpi ne, %convert_element_type3A_522, %cond3A_523 : i32
      scf.if %cond3A_524 {
        %add3A_525 = arith.constant 2 : i32
        %add3A_526 = arith.addi %add3A_453, %add3A_525 : i32
        %dma_start3A_527 = arith.constant 1 : i32
        %dma_start3A_528 = arith.constant 0 : i32
        %dma_start3A_529 = tpu.memref_slice %arg7[%dma_start3A_527, %dma_start3A_528] : memref<2x80xi32, #tpu.memory_space<vmem>> -> memref<1x80xi32, #tpu.memory_space<vmem>>
        %dma_start3A_530 = tpu.memref_squeeze %dma_start3A_529 : memref<1x80xi32, #tpu.memory_space<vmem>> -> memref<80xi32, #tpu.memory_space<vmem>>
        %dma_start3A_531 = arith.constant 0 : i32
        %dma_start3A_532 = tpu.memref_slice %arg2[%add3A, %add3A_526, %dma_start3A_531] : memref<32x126x80xi32, #tpu.memory_space<hbm>> -> memref<1x1x80xi32, #tpu.memory_space<hbm>>
        %dma_start3A_533 = tpu.memref_squeeze %dma_start3A_532 : memref<1x1x80xi32, #tpu.memory_space<hbm>> -> memref<80xi32, #tpu.memory_space<hbm>>
        %dma_start3A_534 = arith.constant 0 : i32
        %dma_start3A_535 = tpu.memref_slice %arg7[%dma_start3A_527, %dma_start3A_534] : memref<2x80xi32, #tpu.memory_space<vmem>> -> memref<1x80xi32, #tpu.memory_space<vmem>>
        %dma_start3A_536 = tpu.memref_squeeze %dma_start3A_535 : memref<1x80xi32, #tpu.memory_space<vmem>> -> memref<80xi32, #tpu.memory_space<vmem>>
        %dma_start3A_537 = arith.constant 0 : i32
        %dma_start3A_538 = tpu.memref_slice %arg2[%add3A, %add3A_526, %dma_start3A_537] : memref<32x126x80xi32, #tpu.memory_space<hbm>> -> memref<1x1x80xi32, #tpu.memory_space<hbm>>
        %dma_start3A_539 = tpu.memref_squeeze %dma_start3A_538 : memref<1x1x80xi32, #tpu.memory_space<hbm>> -> memref<80xi32, #tpu.memory_space<hbm>>
        tpu.enqueue_dma source(%dma_start3A_539 : memref<80xi32, #tpu.memory_space<hbm>>) target(%dma_start3A_536 : memref<80xi32, #tpu.memory_space<vmem>>) target_semaphore(%arg15 : memref<!tpu.dma_semaphore, #tpu.memory_space<semaphore_mem>>)
        %dma_start3A_540 = arith.constant 1 : i32
        %dma_start3A_541 = arith.constant 0 : i32
        %dma_start3A_542 = tpu.memref_slice %arg8[%dma_start3A_540, %dma_start3A_541] : memref<2x80xi32, #tpu.memory_space<vmem>> -> memref<1x80xi32, #tpu.memory_space<vmem>>
        %dma_start3A_543 = tpu.memref_squeeze %dma_start3A_542 : memref<1x80xi32, #tpu.memory_space<vmem>> -> memref<80xi32, #tpu.memory_space<vmem>>
        %dma_start3A_544 = arith.constant 0 : i32
        %dma_start3A_545 = tpu.memref_slice %arg3[%add3A, %add3A_526, %dma_start3A_544] : memref<32x126x80xi32, #tpu.memory_space<hbm>> -> memref<1x1x80xi32, #tpu.memory_space<hbm>>
        %dma_start3A_546 = tpu.memref_squeeze %dma_start3A_545 : memref<1x1x80xi32, #tpu.memory_space<hbm>> -> memref<80xi32, #tpu.memory_space<hbm>>
        %dma_start3A_547 = arith.constant 0 : i32
        %dma_start3A_548 = tpu.memref_slice %arg8[%dma_start3A_540, %dma_start3A_547] : memref<2x80xi32, #tpu.memory_space<vmem>> -> memref<1x80xi32, #tpu.memory_space<vmem>>
        %dma_start3A_549 = tpu.memref_squeeze %dma_start3A_548 : memref<1x80xi32, #tpu.memory_space<vmem>> -> memref<80xi32, #tpu.memory_space<vmem>>
        %dma_start3A_550 = arith.constant 0 : i32
        %dma_start3A_551 = tpu.memref_slice %arg3[%add3A, %add3A_526, %dma_start3A_550] : memref<32x126x80xi32, #tpu.memory_space<hbm>> -> memref<1x1x80xi32, #tpu.memory_space<hbm>>
        %dma_start3A_552 = tpu.memref_squeeze %dma_start3A_551 : memref<1x1x80xi32, #tpu.memory_space<hbm>> -> memref<80xi32, #tpu.memory_space<hbm>>
        tpu.enqueue_dma source(%dma_start3A_552 : memref<80xi32, #tpu.memory_space<hbm>>) target(%dma_start3A_549 : memref<80xi32, #tpu.memory_space<vmem>>) target_semaphore(%arg15 : memref<!tpu.dma_semaphore, #tpu.memory_space<semaphore_mem>>)
      } else {
      }
    }
    %while3A_367 = arith.constant 1 : i32
    scf.for %while3A_378 = %while3A_365 to %while3A_361 step %while3A_367  : i32 {
      %mul3A_379 = arith.constant 2 : i32
      %mul3A_380 = arith.muli %while3A_378, %mul3A_379 : i32
      %lt3A = arith.constant 125 : i32
      %lt3A_381 = arith.cmpi slt, %mul3A_380, %lt3A : i32
      %convert_element_type3A_382 = arith.extui %lt3A_381 : i1 to i32
      %cond3A_383 = arith.constant 0 : i32
      %cond3A_384 = arith.cmpi ne, %convert_element_type3A_382, %cond3A_383 : i32
      scf.if %cond3A_384 {
        %dma_wait3A_525 = arith.constant 0 : i32
        %dma_wait3A_526 = arith.constant 1 : i32
        %dma_wait3A_527 = arith.constant 0 : i32
        %dma_wait3A_528 = tpu.memref_slice %arg7[%dma_wait3A_526, %dma_wait3A_527] : memref<2x80xi32, #tpu.memory_space<vmem>> -> memref<1x80xi32, #tpu.memory_space<vmem>>
        %dma_wait3A_529 = tpu.memref_squeeze %dma_wait3A_528 : memref<1x80xi32, #tpu.memory_space<vmem>> -> memref<80xi32, #tpu.memory_space<vmem>>
        %dma_wait3A_530 = arith.constant 0 : i32
        %dma_wait3A_531 = tpu.memref_slice %arg2[%add3A, %dma_wait3A_525, %dma_wait3A_530] : memref<32x126x80xi32, #tpu.memory_space<hbm>> -> memref<1x1x80xi32, #tpu.memory_space<hbm>>
        %dma_wait3A_532 = tpu.memref_squeeze %dma_wait3A_531 : memref<1x1x80xi32, #tpu.memory_space<hbm>> -> memref<80xi32, #tpu.memory_space<hbm>>
        %dma_wait3A_533 = arith.constant 0 : i32
        %dma_wait3A_534 = tpu.memref_slice %arg7[%dma_wait3A_526, %dma_wait3A_533] : memref<2x80xi32, #tpu.memory_space<vmem>> -> memref<1x80xi32, #tpu.memory_space<vmem>>
        %dma_wait3A_535 = tpu.memref_squeeze %dma_wait3A_534 : memref<1x80xi32, #tpu.memory_space<vmem>> -> memref<80xi32, #tpu.memory_space<vmem>>
        %dma_wait3A_536 = arith.constant 0 : i32
        %dma_wait3A_537 = tpu.memref_slice %arg2[%add3A, %dma_wait3A_525, %dma_wait3A_536] : memref<32x126x80xi32, #tpu.memory_space<hbm>> -> memref<1x1x80xi32, #tpu.memory_space<hbm>>
        %dma_wait3A_538 = tpu.memref_squeeze %dma_wait3A_537 : memref<1x1x80xi32, #tpu.memory_space<hbm>> -> memref<80xi32, #tpu.memory_space<hbm>>
        tpu.wait_dma2 semaphore(%arg15 : memref<!tpu.dma_semaphore, #tpu.memory_space<semaphore_mem>>) src(%dma_wait3A_538 : memref<80xi32, #tpu.memory_space<hbm>>) dst(%dma_wait3A_535 : memref<80xi32, #tpu.memory_space<vmem>>)
        %dma_wait3A_539 = arith.constant 0 : i32
        %dma_wait3A_540 = arith.constant 1 : i32
        %dma_wait3A_541 = arith.constant 0 : i32
        %dma_wait3A_542 = tpu.memref_slice %arg8[%dma_wait3A_540, %dma_wait3A_541] : memref<2x80xi32, #tpu.memory_space<vmem>> -> memref<1x80xi32, #tpu.memory_space<vmem>>
        %dma_wait3A_543 = tpu.memref_squeeze %dma_wait3A_542 : memref<1x80xi32, #tpu.memory_space<vmem>> -> memref<80xi32, #tpu.memory_space<vmem>>
        %dma_wait3A_544 = arith.constant 0 : i32
        %dma_wait3A_545 = tpu.memref_slice %arg3[%add3A, %dma_wait3A_539, %dma_wait3A_544] : memref<32x126x80xi32, #tpu.memory_space<hbm>> -> memref<1x1x80xi32, #tpu.memory_space<hbm>>
        %dma_wait3A_546 = tpu.memref_squeeze %dma_wait3A_545 : memref<1x1x80xi32, #tpu.memory_space<hbm>> -> memref<80xi32, #tpu.memory_space<hbm>>
        %dma_wait3A_547 = arith.constant 0 : i32
        %dma_wait3A_548 = tpu.memref_slice %arg8[%dma_wait3A_540, %dma_wait3A_547] : memref<2x80xi32, #tpu.memory_space<vmem>> -> memref<1x80xi32, #tpu.memory_space<vmem>>
        %dma_wait3A_549 = tpu.memref_squeeze %dma_wait3A_548 : memref<1x80xi32, #tpu.memory_space<vmem>> -> memref<80xi32, #tpu.memory_space<vmem>>
        %dma_wait3A_550 = arith.constant 0 : i32
        %dma_wait3A_551 = tpu.memref_slice %arg3[%add3A, %dma_wait3A_539, %dma_wait3A_550] : memref<32x126x80xi32, #tpu.memory_space<hbm>> -> memref<1x1x80xi32, #tpu.memory_space<hbm>>
        %dma_wait3A_552 = tpu.memref_squeeze %dma_wait3A_551 : memref<1x1x80xi32, #tpu.memory_space<hbm>> -> memref<80xi32, #tpu.memory_space<hbm>>
        tpu.wait_dma2 semaphore(%arg15 : memref<!tpu.dma_semaphore, #tpu.memory_space<semaphore_mem>>) src(%dma_wait3A_552 : memref<80xi32, #tpu.memory_space<hbm>>) dst(%dma_wait3A_549 : memref<80xi32, #tpu.memory_space<vmem>>)
        %dma_start3A_553 = arith.constant 1 : i32
        %dma_start3A_554 = arith.constant 1 : i32
        %dma_start3A_555 = arith.constant 0 : i32
        %dma_start3A_556 = arith.constant 0 : i32
        %dma_start3A_557 = tpu.memref_slice %arg9[%dma_start3A_554, %dma_start3A_555, %dma_start3A_556] : memref<2x80x128xf32, #tpu.memory_space<vmem>> -> memref<1x80x128xf32, #tpu.memory_space<vmem>>
        %dma_start3A_558 = tpu.memref_squeeze %dma_start3A_557 : memref<1x80x128xf32, #tpu.memory_space<vmem>> -> memref<80x128xf32, #tpu.memory_space<vmem>>
        %dma_start3A_559 = arith.constant 0 : i32
        %dma_start3A_560 = tpu.memref_slice %arg7[%dma_start3A_553, %dma_start3A_559] : memref<2x80xi32, #tpu.memory_space<vmem>> -> memref<1x80xi32, #tpu.memory_space<vmem>>
        %dma_start3A_561 = tpu.memref_squeeze %dma_start3A_560 : memref<1x80xi32, #tpu.memory_space<vmem>> -> memref<80xi32, #tpu.memory_space<vmem>>
        %dma_start3A_562 = arith.constant 0 : i32
        %dma_start3A_563 = arith.constant 0 : i32
        %dma_start3A_564 = tpu.memref_slice %arg4[%dma_start3A_562, %dma_start3A_563] : memref<10000x128xf32, #tpu.memory_space<hbm>> -> memref<10000x128xf32, #tpu.memory_space<hbm>>
        tpu.enqueue_indirect_dma source(%dma_start3A_564 : memref<10000x128xf32, #tpu.memory_space<hbm>>) target(%dma_start3A_558 : memref<80x128xf32, #tpu.memory_space<vmem>>) offsets(%dma_start3A_561 : memref<80xi32, #tpu.memory_space<vmem>>) semaphore(%arg13 : memref<!tpu.dma_semaphore, #tpu.memory_space<semaphore_mem>>)
      } else {
      }
      %dma_wait3A_385 = arith.constant 0 : i32
      %dma_wait3A_386 = arith.constant 0 : i32
      %dma_wait3A_387 = arith.constant 0 : i32
      %dma_wait3A_388 = arith.constant 0 : i32
      %dma_wait3A_389 = tpu.memref_slice %arg9[%dma_wait3A_386, %dma_wait3A_387, %dma_wait3A_388] : memref<2x80x128xf32, #tpu.memory_space<vmem>> -> memref<1x80x128xf32, #tpu.memory_space<vmem>>
      %dma_wait3A_390 = tpu.memref_squeeze %dma_wait3A_389 : memref<1x80x128xf32, #tpu.memory_space<vmem>> -> memref<80x128xf32, #tpu.memory_space<vmem>>
      %dma_wait3A_391 = arith.constant 0 : i32
      %dma_wait3A_392 = tpu.memref_slice %arg7[%dma_wait3A_385, %dma_wait3A_391] : memref<2x80xi32, #tpu.memory_space<vmem>> -> memref<1x80xi32, #tpu.memory_space<vmem>>
      %dma_wait3A_393 = tpu.memref_squeeze %dma_wait3A_392 : memref<1x80xi32, #tpu.memory_space<vmem>> -> memref<80xi32, #tpu.memory_space<vmem>>
      %dma_wait3A_394 = arith.constant 0 : i32
      %dma_wait3A_395 = arith.constant 0 : i32
      %dma_wait3A_396 = tpu.memref_slice %arg4[%dma_wait3A_394, %dma_wait3A_395] : memref<10000x128xf32, #tpu.memory_space<hbm>> -> memref<10000x128xf32, #tpu.memory_space<hbm>>
      tpu.wait_indirect_dma semaphore(%arg12 : memref<!tpu.dma_semaphore, #tpu.memory_space<semaphore_mem>>) src(%dma_wait3A_396 : memref<10000x128xf32, #tpu.memory_space<hbm>>) dst(%dma_wait3A_390 : memref<80x128xf32, #tpu.memory_space<vmem>>)
      %dma_start3A_397 = arith.constant 0 : i32
      %dma_start3A_398 = arith.constant 0 : i32
      %dma_start3A_399 = arith.constant 0 : i32
      %dma_start3A_400 = arith.constant 0 : i32
      %dma_start3A_401 = tpu.memref_slice %arg9[%dma_start3A_397, %dma_start3A_399, %dma_start3A_400] : memref<2x80x128xf32, #tpu.memory_space<vmem>> -> memref<1x80x128xf32, #tpu.memory_space<vmem>>
      %dma_start3A_402 = tpu.memref_squeeze %dma_start3A_401 : memref<1x80x128xf32, #tpu.memory_space<vmem>> -> memref<80x128xf32, #tpu.memory_space<vmem>>
      %dma_start3A_403 = arith.constant 0 : i32
      %dma_start3A_404 = tpu.memref_slice %arg8[%dma_start3A_398, %dma_start3A_403] : memref<2x80xi32, #tpu.memory_space<vmem>> -> memref<1x80xi32, #tpu.memory_space<vmem>>
      %dma_start3A_405 = tpu.memref_squeeze %dma_start3A_404 : memref<1x80xi32, #tpu.memory_space<vmem>> -> memref<80xi32, #tpu.memory_space<vmem>>
      %dma_start3A_406 = arith.constant 0 : i32
      %dma_start3A_407 = arith.constant 0 : i32
      %dma_start3A_408 = tpu.memref_slice %arg11[%dma_start3A_406, %dma_start3A_407] : memref<10112x128xf32, #tpu.memory_space<vmem_shared>> -> memref<10112x128xf32, #tpu.memory_space<vmem_shared>>
      tpu.enqueue_indirect_dma source(%dma_start3A_402 : memref<80x128xf32, #tpu.memory_space<vmem>>) target(%dma_start3A_408 : memref<10112x128xf32, #tpu.memory_space<vmem_shared>>) offsets(%dma_start3A_405 : memref<80xi32, #tpu.memory_space<vmem>>) semaphore(%arg16 : memref<!tpu.dma_semaphore, #tpu.memory_space<semaphore_mem>>) {add = true}
      %get3A = arith.constant 0 : i32
      %get3A_409 = arith.constant 0 : i32
      %get3A_410 = arith.index_cast %get3A : i32 to index
      %get3A_411 = arith.index_cast %get3A_409 : i32 to index
      %get3A_412 = tpu.vector_load %arg8[%get3A_410, %get3A_411] {strides = array<i32>} : memref<2x80xi32, #tpu.memory_space<vmem>>, vector<16xi32>,
      tpu.vector_store_idx %arg10[%get3A_412], %broadcast_in_dim3A_260 {add = true} : memref<10112xf32, #tpu.memory_space<vmem>>[vector<16xi32>], vector<16xf32>,
      %get3A_413 = arith.constant 0 : i32
      %get3A_414 = arith.constant 16 : i32
      %get3A_415 = arith.index_cast %get3A_413 : i32 to index
      %get3A_416 = arith.index_cast %get3A_414 : i32 to index
      %get3A_417 = tpu.vector_load %arg8[%get3A_415, %get3A_416] {strides = array<i32>} : memref<2x80xi32, #tpu.memory_space<vmem>>, vector<16xi32>,
      tpu.vector_store_idx %arg10[%get3A_417], %broadcast_in_dim3A_260 {add = true} : memref<10112xf32, #tpu.memory_space<vmem>>[vector<16xi32>], vector<16xf32>,
      %get3A_418 = arith.constant 0 : i32
      %get3A_419 = arith.constant 32 : i32
      %get3A_420 = arith.index_cast %get3A_418 : i32 to index
      %get3A_421 = arith.index_cast %get3A_419 : i32 to index
      %get3A_422 = tpu.vector_load %arg8[%get3A_420, %get3A_421] {strides = array<i32>} : memref<2x80xi32, #tpu.memory_space<vmem>>, vector<16xi32>,
      tpu.vector_store_idx %arg10[%get3A_422], %broadcast_in_dim3A_260 {add = true} : memref<10112xf32, #tpu.memory_space<vmem>>[vector<16xi32>], vector<16xf32>,
      %get3A_423 = arith.constant 0 : i32
      %get3A_424 = arith.constant 48 : i32
      %get3A_425 = arith.index_cast %get3A_423 : i32 to index
      %get3A_426 = arith.index_cast %get3A_424 : i32 to index
      %get3A_427 = tpu.vector_load %arg8[%get3A_425, %get3A_426] {strides = array<i32>} : memref<2x80xi32, #tpu.memory_space<vmem>>, vector<16xi32>,
      tpu.vector_store_idx %arg10[%get3A_427], %broadcast_in_dim3A_260 {add = true} : memref<10112xf32, #tpu.memory_space<vmem>>[vector<16xi32>], vector<16xf32>,
      %get3A_428 = arith.constant 0 : i32
      %get3A_429 = arith.constant 64 : i32
      %get3A_430 = arith.index_cast %get3A_428 : i32 to index
      %get3A_431 = arith.index_cast %get3A_429 : i32 to index
      %get3A_432 = tpu.vector_load %arg8[%get3A_430, %get3A_431] {strides = array<i32>} : memref<2x80xi32, #tpu.memory_space<vmem>>, vector<16xi32>,
      tpu.vector_store_idx %arg10[%get3A_432], %broadcast_in_dim3A_260 {add = true} : memref<10112xf32, #tpu.memory_space<vmem>>[vector<16xi32>], vector<16xf32>,
      %dma_wait3A_433 = arith.constant 0 : i32
      %dma_wait3A_434 = arith.constant 0 : i32
      %dma_wait3A_435 = arith.constant 0 : i32
      %dma_wait3A_436 = arith.constant 0 : i32
      %dma_wait3A_437 = tpu.memref_slice %arg9[%dma_wait3A_433, %dma_wait3A_435, %dma_wait3A_436] : memref<2x80x128xf32, #tpu.memory_space<vmem>> -> memref<1x80x128xf32, #tpu.memory_space<vmem>>
      %dma_wait3A_438 = tpu.memref_squeeze %dma_wait3A_437 : memref<1x80x128xf32, #tpu.memory_space<vmem>> -> memref<80x128xf32, #tpu.memory_space<vmem>>
      %dma_wait3A_439 = arith.constant 0 : i32
      %dma_wait3A_440 = tpu.memref_slice %arg8[%dma_wait3A_434, %dma_wait3A_439] : memref<2x80xi32, #tpu.memory_space<vmem>> -> memref<1x80xi32, #tpu.memory_space<vmem>>
      %dma_wait3A_441 = tpu.memref_squeeze %dma_wait3A_440 : memref<1x80xi32, #tpu.memory_space<vmem>> -> memref<80xi32, #tpu.memory_space<vmem>>
      %dma_wait3A_442 = arith.constant 0 : i32
      %dma_wait3A_443 = arith.constant 0 : i32
      %dma_wait3A_444 = tpu.memref_slice %arg11[%dma_wait3A_442, %dma_wait3A_443] : memref<10112x128xf32, #tpu.memory_space<vmem_shared>> -> memref<10112x128xf32, #tpu.memory_space<vmem_shared>>
      tpu.wait_indirect_dma semaphore(%arg16 : memref<!tpu.dma_semaphore, #tpu.memory_space<semaphore_mem>>) src(%dma_wait3A_438 : memref<80x128xf32, #tpu.memory_space<vmem>>) dst(%dma_wait3A_444 : memref<10112x128xf32, #tpu.memory_space<vmem_shared>>)
      %lt3A_445 = arith.constant 124 : i32
      %lt3A_446 = arith.cmpi slt, %mul3A_380, %lt3A_445 : i32
      %convert_element_type3A_447 = arith.extui %lt3A_446 : i1 to i32
      %cond3A_448 = arith.constant 0 : i32
      %cond3A_449 = arith.cmpi ne, %convert_element_type3A_447, %cond3A_448 : i32
      scf.if %cond3A_449 {
        %add3A_525 = arith.constant 2 : i32
        %add3A_526 = arith.addi %mul3A_380, %add3A_525 : i32
        %dma_start3A_527 = arith.constant 0 : i32
        %dma_start3A_528 = arith.constant 0 : i32
        %dma_start3A_529 = tpu.memref_slice %arg7[%dma_start3A_527, %dma_start3A_528] : memref<2x80xi32, #tpu.memory_space<vmem>> -> memref<1x80xi32, #tpu.memory_space<vmem>>
        %dma_start3A_530 = tpu.memref_squeeze %dma_start3A_529 : memref<1x80xi32, #tpu.memory_space<vmem>> -> memref<80xi32, #tpu.memory_space<vmem>>
        %dma_start3A_531 = arith.constant 0 : i32
        %dma_start3A_532 = tpu.memref_slice %arg2[%add3A, %add3A_526, %dma_start3A_531] : memref<32x126x80xi32, #tpu.memory_space<hbm>> -> memref<1x1x80xi32, #tpu.memory_space<hbm>>
        %dma_start3A_533 = tpu.memref_squeeze %dma_start3A_532 : memref<1x1x80xi32, #tpu.memory_space<hbm>> -> memref<80xi32, #tpu.memory_space<hbm>>
        %dma_start3A_534 = arith.constant 0 : i32
        %dma_start3A_535 = tpu.memref_slice %arg7[%dma_start3A_527, %dma_start3A_534] : memref<2x80xi32, #tpu.memory_space<vmem>> -> memref<1x80xi32, #tpu.memory_space<vmem>>
        %dma_start3A_536 = tpu.memref_squeeze %dma_start3A_535 : memref<1x80xi32, #tpu.memory_space<vmem>> -> memref<80xi32, #tpu.memory_space<vmem>>
        %dma_start3A_537 = arith.constant 0 : i32
        %dma_start3A_538 = tpu.memref_slice %arg2[%add3A, %add3A_526, %dma_start3A_537] : memref<32x126x80xi32, #tpu.memory_space<hbm>> -> memref<1x1x80xi32, #tpu.memory_space<hbm>>
        %dma_start3A_539 = tpu.memref_squeeze %dma_start3A_538 : memref<1x1x80xi32, #tpu.memory_space<hbm>> -> memref<80xi32, #tpu.memory_space<hbm>>
        tpu.enqueue_dma source(%dma_start3A_539 : memref<80xi32, #tpu.memory_space<hbm>>) target(%dma_start3A_536 : memref<80xi32, #tpu.memory_space<vmem>>) target_semaphore(%arg14 : memref<!tpu.dma_semaphore, #tpu.memory_space<semaphore_mem>>)
        %dma_start3A_540 = arith.constant 0 : i32
        %dma_start3A_541 = arith.constant 0 : i32
        %dma_start3A_542 = tpu.memref_slice %arg8[%dma_start3A_540, %dma_start3A_541] : memref<2x80xi32, #tpu.memory_space<vmem>> -> memref<1x80xi32, #tpu.memory_space<vmem>>
        %dma_start3A_543 = tpu.memref_squeeze %dma_start3A_542 : memref<1x80xi32, #tpu.memory_space<vmem>> -> memref<80xi32, #tpu.memory_space<vmem>>
        %dma_start3A_544 = arith.constant 0 : i32
        %dma_start3A_545 = tpu.memref_slice %arg3[%add3A, %add3A_526, %dma_start3A_544] : memref<32x126x80xi32, #tpu.memory_space<hbm>> -> memref<1x1x80xi32, #tpu.memory_space<hbm>>
        %dma_start3A_546 = tpu.memref_squeeze %dma_start3A_545 : memref<1x1x80xi32, #tpu.memory_space<hbm>> -> memref<80xi32, #tpu.memory_space<hbm>>
        %dma_start3A_547 = arith.constant 0 : i32
        %dma_start3A_548 = tpu.memref_slice %arg8[%dma_start3A_540, %dma_start3A_547] : memref<2x80xi32, #tpu.memory_space<vmem>> -> memref<1x80xi32, #tpu.memory_space<vmem>>
        %dma_start3A_549 = tpu.memref_squeeze %dma_start3A_548 : memref<1x80xi32, #tpu.memory_space<vmem>> -> memref<80xi32, #tpu.memory_space<vmem>>
        %dma_start3A_550 = arith.constant 0 : i32
        %dma_start3A_551 = tpu.memref_slice %arg3[%add3A, %add3A_526, %dma_start3A_550] : memref<32x126x80xi32, #tpu.memory_space<hbm>> -> memref<1x1x80xi32, #tpu.memory_space<hbm>>
        %dma_start3A_552 = tpu.memref_squeeze %dma_start3A_551 : memref<1x1x80xi32, #tpu.memory_space<hbm>> -> memref<80xi32, #tpu.memory_space<hbm>>
        tpu.enqueue_dma source(%dma_start3A_552 : memref<80xi32, #tpu.memory_space<hbm>>) target(%dma_start3A_549 : memref<80xi32, #tpu.memory_space<vmem>>) target_semaphore(%arg14 : memref<!tpu.dma_semaphore, #tpu.memory_space<semaphore_mem>>)
      } else {
      }
      %mul3A_450 = arith.constant 2 : i32
      %mul3A_451 = arith.muli %while3A_378, %mul3A_450 : i32
      %add3A_452 = arith.constant 1 : i32
      %add3A_453 = arith.addi %mul3A_451, %add3A_452 : i32
      %lt3A_454 = arith.constant 125 : i32
      %lt3A_455 = arith.cmpi slt, %add3A_453, %lt3A_454 : i32
      %convert_element_type3A_456 = arith.extui %lt3A_455 : i1 to i32
      %cond3A_457 = arith.constant 0 : i32
      %cond3A_458 = arith.cmpi ne, %convert_element_type3A_456, %cond3A_457 : i32
      scf.if %cond3A_458 {
        %dma_wait3A_525 = arith.constant 0 : i32
        %dma_wait3A_526 = arith.constant 0 : i32
        %dma_wait3A_527 = arith.constant 0 : i32
        %dma_wait3A_528 = tpu.memref_slice %arg7[%dma_wait3A_526, %dma_wait3A_527] : memref<2x80xi32, #tpu.memory_space<vmem>> -> memref<1x80xi32, #tpu.memory_space<vmem>>
        %dma_wait3A_529 = tpu.memref_squeeze %dma_wait3A_528 : memref<1x80xi32, #tpu.memory_space<vmem>> -> memref<80xi32, #tpu.memory_space<vmem>>
        %dma_wait3A_530 = arith.constant 0 : i32
        %dma_wait3A_531 = tpu.memref_slice %arg2[%add3A, %dma_wait3A_525, %dma_wait3A_530] : memref<32x126x80xi32, #tpu.memory_space<hbm>> -> memref<1x1x80xi32, #tpu.memory_space<hbm>>
        %dma_wait3A_532 = tpu.memref_squeeze %dma_wait3A_531 : memref<1x1x80xi32, #tpu.memory_space<hbm>> -> memref<80xi32, #tpu.memory_space<hbm>>
        %dma_wait3A_533 = arith.constant 0 : i32
        %dma_wait3A_534 = tpu.memref_slice %arg7[%dma_wait3A_526, %dma_wait3A_533] : memref<2x80xi32, #tpu.memory_space<vmem>> -> memref<1x80xi32, #tpu.memory_space<vmem>>
        %dma_wait3A_535 = tpu.memref_squeeze %dma_wait3A_534 : memref<1x80xi32, #tpu.memory_space<vmem>> -> memref<80xi32, #tpu.memory_space<vmem>>
        %dma_wait3A_536 = arith.constant 0 : i32
        %dma_wait3A_537 = tpu.memref_slice %arg2[%add3A, %dma_wait3A_525, %dma_wait3A_536] : memref<32x126x80xi32, #tpu.memory_space<hbm>> -> memref<1x1x80xi32, #tpu.memory_space<hbm>>
        %dma_wait3A_538 = tpu.memref_squeeze %dma_wait3A_537 : memref<1x1x80xi32, #tpu.memory_space<hbm>> -> memref<80xi32, #tpu.memory_space<hbm>>
        tpu.wait_dma2 semaphore(%arg14 : memref<!tpu.dma_semaphore, #tpu.memory_space<semaphore_mem>>) src(%dma_wait3A_538 : memref<80xi32, #tpu.memory_space<hbm>>) dst(%dma_wait3A_535 : memref<80xi32, #tpu.memory_space<vmem>>)
        %dma_wait3A_539 = arith.constant 0 : i32
        %dma_wait3A_540 = arith.constant 0 : i32
        %dma_wait3A_541 = arith.constant 0 : i32
        %dma_wait3A_542 = tpu.memref_slice %arg8[%dma_wait3A_540, %dma_wait3A_541] : memref<2x80xi32, #tpu.memory_space<vmem>> -> memref<1x80xi32, #tpu.memory_space<vmem>>
        %dma_wait3A_543 = tpu.memref_squeeze %dma_wait3A_542 : memref<1x80xi32, #tpu.memory_space<vmem>> -> memref<80xi32, #tpu.memory_space<vmem>>
        %dma_wait3A_544 = arith.constant 0 : i32
        %dma_wait3A_545 = tpu.memref_slice %arg3[%add3A, %dma_wait3A_539, %dma_wait3A_544] : memref<32x126x80xi32, #tpu.memory_space<hbm>> -> memref<1x1x80xi32, #tpu.memory_space<hbm>>
        %dma_wait3A_546 = tpu.memref_squeeze %dma_wait3A_545 : memref<1x1x80xi32, #tpu.memory_space<hbm>> -> memref<80xi32, #tpu.memory_space<hbm>>
        %dma_wait3A_547 = arith.constant 0 : i32
        %dma_wait3A_548 = tpu.memref_slice %arg8[%dma_wait3A_540, %dma_wait3A_547] : memref<2x80xi32, #tpu.memory_space<vmem>> -> memref<1x80xi32, #tpu.memory_space<vmem>>
        %dma_wait3A_549 = tpu.memref_squeeze %dma_wait3A_548 : memref<1x80xi32, #tpu.memory_space<vmem>> -> memref<80xi32, #tpu.memory_space<vmem>>
        %dma_wait3A_550 = arith.constant 0 : i32
        %dma_wait3A_551 = tpu.memref_slice %arg3[%add3A, %dma_wait3A_539, %dma_wait3A_550] : memref<32x126x80xi32, #tpu.memory_space<hbm>> -> memref<1x1x80xi32, #tpu.memory_space<hbm>>
        %dma_wait3A_552 = tpu.memref_squeeze %dma_wait3A_551 : memref<1x1x80xi32, #tpu.memory_space<hbm>> -> memref<80xi32, #tpu.memory_space<hbm>>
        tpu.wait_dma2 semaphore(%arg14 : memref<!tpu.dma_semaphore, #tpu.memory_space<semaphore_mem>>) src(%dma_wait3A_552 : memref<80xi32, #tpu.memory_space<hbm>>) dst(%dma_wait3A_549 : memref<80xi32, #tpu.memory_space<vmem>>)
        %dma_start3A_553 = arith.constant 0 : i32
        %dma_start3A_554 = arith.constant 0 : i32
        %dma_start3A_555 = arith.constant 0 : i32
        %dma_start3A_556 = arith.constant 0 : i32
        %dma_start3A_557 = tpu.memref_slice %arg9[%dma_start3A_554, %dma_start3A_555, %dma_start3A_556] : memref<2x80x128xf32, #tpu.memory_space<vmem>> -> memref<1x80x128xf32, #tpu.memory_space<vmem>>
        %dma_start3A_558 = tpu.memref_squeeze %dma_start3A_557 : memref<1x80x128xf32, #tpu.memory_space<vmem>> -> memref<80x128xf32, #tpu.memory_space<vmem>>
        %dma_start3A_559 = arith.constant 0 : i32
        %dma_start3A_560 = tpu.memref_slice %arg7[%dma_start3A_553, %dma_start3A_559] : memref<2x80xi32, #tpu.memory_space<vmem>> -> memref<1x80xi32, #tpu.memory_space<vmem>>
        %dma_start3A_561 = tpu.memref_squeeze %dma_start3A_560 : memref<1x80xi32, #tpu.memory_space<vmem>> -> memref<80xi32, #tpu.memory_space<vmem>>
        %dma_start3A_562 = arith.constant 0 : i32
        %dma_start3A_563 = arith.constant 0 : i32
        %dma_start3A_564 = tpu.memref_slice %arg4[%dma_start3A_562, %dma_start3A_563] : memref<10000x128xf32, #tpu.memory_space<hbm>> -> memref<10000x128xf32, #tpu.memory_space<hbm>>
        tpu.enqueue_indirect_dma source(%dma_start3A_564 : memref<10000x128xf32, #tpu.memory_space<hbm>>) target(%dma_start3A_558 : memref<80x128xf32, #tpu.memory_space<vmem>>) offsets(%dma_start3A_561 : memref<80xi32, #tpu.memory_space<vmem>>) semaphore(%arg12 : memref<!tpu.dma_semaphore, #tpu.memory_space<semaphore_mem>>)
      } else {
      }
      %dma_wait3A_459 = arith.constant 0 : i32
      %dma_wait3A_460 = arith.constant 1 : i32
      %dma_wait3A_461 = arith.constant 0 : i32
      %dma_wait3A_462 = arith.constant 0 : i32
      %dma_wait3A_463 = tpu.memref_slice %arg9[%dma_wait3A_460, %dma_wait3A_461, %dma_wait3A_462] : memref<2x80x128xf32, #tpu.memory_space<vmem>> -> memref<1x80x128xf32, #tpu.memory_space<vmem>>
      %dma_wait3A_464 = tpu.memref_squeeze %dma_wait3A_463 : memref<1x80x128xf32, #tpu.memory_space<vmem>> -> memref<80x128xf32, #tpu.memory_space<vmem>>
      %dma_wait3A_465 = arith.constant 0 : i32
      %dma_wait3A_466 = tpu.memref_slice %arg7[%dma_wait3A_459, %dma_wait3A_465] : memref<2x80xi32, #tpu.memory_space<vmem>> -> memref<1x80xi32, #tpu.memory_space<vmem>>
      %dma_wait3A_467 = tpu.memref_squeeze %dma_wait3A_466 : memref<1x80xi32, #tpu.memory_space<vmem>> -> memref<80xi32, #tpu.memory_space<vmem>>
      %dma_wait3A_468 = arith.constant 0 : i32
      %dma_wait3A_469 = arith.constant 0 : i32
      %dma_wait3A_470 = tpu.memref_slice %arg4[%dma_wait3A_468, %dma_wait3A_469] : memref<10000x128xf32, #tpu.memory_space<hbm>> -> memref<10000x128xf32, #tpu.memory_space<hbm>>
      tpu.wait_indirect_dma semaphore(%arg13 : memref<!tpu.dma_semaphore, #tpu.memory_space<semaphore_mem>>) src(%dma_wait3A_470 : memref<10000x128xf32, #tpu.memory_space<hbm>>) dst(%dma_wait3A_464 : memref<80x128xf32, #tpu.memory_space<vmem>>)
      %dma_start3A_471 = arith.constant 1 : i32
      %dma_start3A_472 = arith.constant 1 : i32
      %dma_start3A_473 = arith.constant 0 : i32
      %dma_start3A_474 = arith.constant 0 : i32
      %dma_start3A_475 = tpu.memref_slice %arg9[%dma_start3A_471, %dma_start3A_473, %dma_start3A_474] : memref<2x80x128xf32, #tpu.memory_space<vmem>> -> memref<1x80x128xf32, #tpu.memory_space<vmem>>
      %dma_start3A_476 = tpu.memref_squeeze %dma_start3A_475 : memref<1x80x128xf32, #tpu.memory_space<vmem>> -> memref<80x128xf32, #tpu.memory_space<vmem>>
      %dma_start3A_477 = arith.constant 0 : i32
      %dma_start3A_478 = tpu.memref_slice %arg8[%dma_start3A_472, %dma_start3A_477] : memref<2x80xi32, #tpu.memory_space<vmem>> -> memref<1x80xi32, #tpu.memory_space<vmem>>
      %dma_start3A_479 = tpu.memref_squeeze %dma_start3A_478 : memref<1x80xi32, #tpu.memory_space<vmem>> -> memref<80xi32, #tpu.memory_space<vmem>>
      %dma_start3A_480 = arith.constant 0 : i32
      %dma_start3A_481 = arith.constant 0 : i32
      %dma_start3A_482 = tpu.memref_slice %arg11[%dma_start3A_480, %dma_start3A_481] : memref<10112x128xf32, #tpu.memory_space<vmem_shared>> -> memref<10112x128xf32, #tpu.memory_space<vmem_shared>>
      tpu.enqueue_indirect_dma source(%dma_start3A_476 : memref<80x128xf32, #tpu.memory_space<vmem>>) target(%dma_start3A_482 : memref<10112x128xf32, #tpu.memory_space<vmem_shared>>) offsets(%dma_start3A_479 : memref<80xi32, #tpu.memory_space<vmem>>) semaphore(%arg16 : memref<!tpu.dma_semaphore, #tpu.memory_space<semaphore_mem>>) {add = true}
      %get3A_483 = arith.constant 1 : i32
      %get3A_484 = arith.constant 0 : i32
      %get3A_485 = arith.index_cast %get3A_483 : i32 to index
      %get3A_486 = arith.index_cast %get3A_484 : i32 to index
      %get3A_487 = tpu.vector_load %arg8[%get3A_485, %get3A_486] {strides = array<i32>} : memref<2x80xi32, #tpu.memory_space<vmem>>, vector<16xi32>,
      tpu.vector_store_idx %arg10[%get3A_487], %broadcast_in_dim3A_260 {add = true} : memref<10112xf32, #tpu.memory_space<vmem>>[vector<16xi32>], vector<16xf32>,
      %get3A_488 = arith.constant 1 : i32
      %get3A_489 = arith.constant 16 : i32
      %get3A_490 = arith.index_cast %get3A_488 : i32 to index
      %get3A_491 = arith.index_cast %get3A_489 : i32 to index
      %get3A_492 = tpu.vector_load %arg8[%get3A_490, %get3A_491] {strides = array<i32>} : memref<2x80xi32, #tpu.memory_space<vmem>>, vector<16xi32>,
      tpu.vector_store_idx %arg10[%get3A_492], %broadcast_in_dim3A_260 {add = true} : memref<10112xf32, #tpu.memory_space<vmem>>[vector<16xi32>], vector<16xf32>,
      %get3A_493 = arith.constant 1 : i32
      %get3A_494 = arith.constant 32 : i32
      %get3A_495 = arith.index_cast %get3A_493 : i32 to index
      %get3A_496 = arith.index_cast %get3A_494 : i32 to index
      %get3A_497 = tpu.vector_load %arg8[%get3A_495, %get3A_496] {strides = array<i32>} : memref<2x80xi32, #tpu.memory_space<vmem>>, vector<16xi32>,
      tpu.vector_store_idx %arg10[%get3A_497], %broadcast_in_dim3A_260 {add = true} : memref<10112xf32, #tpu.memory_space<vmem>>[vector<16xi32>], vector<16xf32>,
      %get3A_498 = arith.constant 1 : i32
      %get3A_499 = arith.constant 48 : i32
      %get3A_500 = arith.index_cast %get3A_498 : i32 to index
      %get3A_501 = arith.index_cast %get3A_499 : i32 to index
      %get3A_502 = tpu.vector_load %arg8[%get3A_500, %get3A_501] {strides = array<i32>} : memref<2x80xi32, #tpu.memory_space<vmem>>, vector<16xi32>,
      tpu.vector_store_idx %arg10[%get3A_502], %broadcast_in_dim3A_260 {add = true} : memref<10112xf32, #tpu.memory_space<vmem>>[vector<16xi32>], vector<16xf32>,
      %get3A_503 = arith.constant 1 : i32
      %get3A_504 = arith.constant 64 : i32
      %get3A_505 = arith.index_cast %get3A_503 : i32 to index
      %get3A_506 = arith.index_cast %get3A_504 : i32 to index
      %get3A_507 = tpu.vector_load %arg8[%get3A_505, %get3A_506] {strides = array<i32>} : memref<2x80xi32, #tpu.memory_space<vmem>>, vector<16xi32>,
      tpu.vector_store_idx %arg10[%get3A_507], %broadcast_in_dim3A_260 {add = true} : memref<10112xf32, #tpu.memory_space<vmem>>[vector<16xi32>], vector<16xf32>,
      %dma_wait3A_508 = arith.constant 1 : i32
      %dma_wait3A_509 = arith.constant 1 : i32
      %dma_wait3A_510 = arith.constant 0 : i32
      %dma_wait3A_511 = arith.constant 0 : i32
      %dma_wait3A_512 = tpu.memref_slice %arg9[%dma_wait3A_508, %dma_wait3A_510, %dma_wait3A_511] : memref<2x80x128xf32, #tpu.memory_space<vmem>> -> memref<1x80x128xf32, #tpu.memory_space<vmem>>
      %dma_wait3A_513 = tpu.memref_squeeze %dma_wait3A_512 : memref<1x80x128xf32, #tpu.memory_space<vmem>> -> memref<80x128xf32, #tpu.memory_space<vmem>>
      %dma_wait3A_514 = arith.constant 0 : i32
      %dma_wait3A_515 = tpu.memref_slice %arg8[%dma_wait3A_509, %dma_wait3A_514] : memref<2x80xi32, #tpu.memory_space<vmem>> -> memref<1x80xi32, #tpu.memory_space<vmem>>
      %dma_wait3A_516 = tpu.memref_squeeze %dma_wait3A_515 : memref<1x80xi32, #tpu.memory_space<vmem>> -> memref<80xi32, #tpu.memory_space<vmem>>
      %dma_wait3A_517 = arith.constant 0 : i32
      %dma_wait3A_518 = arith.constant 0 : i32
      %dma_wait3A_519 = tpu.memref_slice %arg11[%dma_wait3A_517, %dma_wait3A_518] : memref<10112x128xf32, #tpu.memory_space<vmem_shared>> -> memref<10112x128xf32, #tpu.memory_space<vmem_shared>>
      tpu.wait_indirect_dma semaphore(%arg16 : memref<!tpu.dma_semaphore, #tpu.memory_space<semaphore_mem>>) src(%dma_wait3A_513 : memref<80x128xf32, #tpu.memory_space<vmem>>) dst(%dma_wait3A_519 : memref<10112x128xf32, #tpu.memory_space<vmem_shared>>)
      %lt3A_520 = arith.constant 124 : i32
      %lt3A_521 = arith.cmpi slt, %add3A_453, %lt3A_520 : i32
      %convert_element_type3A_522 = arith.extui %lt3A_521 : i1 to i32
      %cond3A_523 = arith.constant 0 : i32
      %cond3A_524 = arith.cmpi ne, %convert_element_type3A_522, %cond3A_523 : i32
      scf.if %cond3A_524 {
        %add3A_525 = arith.constant 2 : i32
        %add3A_526 = arith.addi %add3A_453, %add3A_525 : i32
        %dma_start3A_527 = arith.constant 1 : i32
        %dma_start3A_528 = arith.constant 0 : i32
        %dma_start3A_529 = tpu.memref_slice %arg7[%dma_start3A_527, %dma_start3A_528] : memref<2x80xi32, #tpu.memory_space<vmem>> -> memref<1x80xi32, #tpu.memory_space<vmem>>
        %dma_start3A_530 = tpu.memref_squeeze %dma_start3A_529 : memref<1x80xi32, #tpu.memory_space<vmem>> -> memref<80xi32, #tpu.memory_space<vmem>>
        %dma_start3A_531 = arith.constant 0 : i32
        %dma_start3A_532 = tpu.memref_slice %arg2[%add3A, %add3A_526, %dma_start3A_531] : memref<32x126x80xi32, #tpu.memory_space<hbm>> -> memref<1x1x80xi32, #tpu.memory_space<hbm>>
        %dma_start3A_533 = tpu.memref_squeeze %dma_start3A_532 : memref<1x1x80xi32, #tpu.memory_space<hbm>> -> memref<80xi32, #tpu.memory_space<hbm>>
        %dma_start3A_534 = arith.constant 0 : i32
        %dma_start3A_535 = tpu.memref_slice %arg7[%dma_start3A_527, %dma_start3A_534] : memref<2x80xi32, #tpu.memory_space<vmem>> -> memref<1x80xi32, #tpu.memory_space<vmem>>
        %dma_start3A_536 = tpu.memref_squeeze %dma_start3A_535 : memref<1x80xi32, #tpu.memory_space<vmem>> -> memref<80xi32, #tpu.memory_space<vmem>>
        %dma_start3A_537 = arith.constant 0 : i32
        %dma_start3A_538 = tpu.memref_slice %arg2[%add3A, %add3A_526, %dma_start3A_537] : memref<32x126x80xi32, #tpu.memory_space<hbm>> -> memref<1x1x80xi32, #tpu.memory_space<hbm>>
        %dma_start3A_539 = tpu.memref_squeeze %dma_start3A_538 : memref<1x1x80xi32, #tpu.memory_space<hbm>> -> memref<80xi32, #tpu.memory_space<hbm>>
        tpu.enqueue_dma source(%dma_start3A_539 : memref<80xi32, #tpu.memory_space<hbm>>) target(%dma_start3A_536 : memref<80xi32, #tpu.memory_space<vmem>>) target_semaphore(%arg15 : memref<!tpu.dma_semaphore, #tpu.memory_space<semaphore_mem>>)
        %dma_start3A_540 = arith.constant 1 : i32
        %dma_start3A_541 = arith.constant 0 : i32
        %dma_start3A_542 = tpu.memref_slice %arg8[%dma_start3A_540, %dma_start3A_541] : memref<2x80xi32, #tpu.memory_space<vmem>> -> memref<1x80xi32, #tpu.memory_space<vmem>>
        %dma_start3A_543 = tpu.memref_squeeze %dma_start3A_542 : memref<1x80xi32, #tpu.memory_space<vmem>> -> memref<80xi32, #tpu.memory_space<vmem>>
        %dma_start3A_544 = arith.constant 0 : i32
        %dma_start3A_545 = tpu.memref_slice %arg3[%add3A, %add3A_526, %dma_start3A_544] : memref<32x126x80xi32, #tpu.memory_space<hbm>> -> memref<1x1x80xi32, #tpu.memory_space<hbm>>
        %dma_start3A_546 = tpu.memref_squeeze %dma_start3A_545 : memref<1x1x80xi32, #tpu.memory_space<hbm>> -> memref<80xi32, #tpu.memory_space<hbm>>
        %dma_start3A_547 = arith.constant 0 : i32
        %dma_start3A_548 = tpu.memref_slice %arg8[%dma_start3A_540, %dma_start3A_547] : memref<2x80xi32, #tpu.memory_space<vmem>> -> memref<1x80xi32, #tpu.memory_space<vmem>>
        %dma_start3A_549 = tpu.memref_squeeze %dma_start3A_548 : memref<1x80xi32, #tpu.memory_space<vmem>> -> memref<80xi32, #tpu.memory_space<vmem>>
        %dma_start3A_550 = arith.constant 0 : i32
        %dma_start3A_551 = tpu.memref_slice %arg3[%add3A, %add3A_526, %dma_start3A_550] : memref<32x126x80xi32, #tpu.memory_space<hbm>> -> memref<1x1x80xi32, #tpu.memory_space<hbm>>
        %dma_start3A_552 = tpu.memref_squeeze %dma_start3A_551 : memref<1x1x80xi32, #tpu.memory_space<hbm>> -> memref<80xi32, #tpu.memory_space<hbm>>
        tpu.enqueue_dma source(%dma_start3A_552 : memref<80xi32, #tpu.memory_space<hbm>>) target(%dma_start3A_549 : memref<80xi32, #tpu.memory_space<vmem>>) target_semaphore(%arg15 : memref<!tpu.dma_semaphore, #tpu.memory_space<semaphore_mem>>)
      } else {
      }
    }
    %barrier3A_368 = arith.constant 0 : index
    tpu.barrier barrier_id(%barrier3A_368)
    %mul3A_369 = arith.constant 624 : i32
    %mul3A_370 = arith.muli %arg1, %mul3A_369 : i32
    %mul3A_371 = arith.constant 10000 : i32
    %mul3A_372 = arith.muli %arg0, %mul3A_371 : i32
    %add3A_373 = arith.addi %mul3A_372, %mul3A_370 : i32
    "tpu.region"() ({
      %run_scoped3A_378 = tpu.sem_alloc : memref<!tpu.dma_semaphore, #tpu.memory_space<semaphore_mem>>
      %dma_start3A_379 = arith.constant 0 : i32
      %dma_start3A_380 = tpu.memref_slice %arg5[%add3A_373, %dma_start3A_379] : memref<20000x128xf32, #tpu.memory_space<hbm>> -> memref<624x128xf32, #tpu.memory_space<hbm>>
      %dma_start3A_381 = arith.constant 0 : i32
      %dma_start3A_382 = tpu.memref_slice %arg11[%mul3A_370, %dma_start3A_381] : memref<10112x128xf32, #tpu.memory_space<vmem_shared>> -> memref<624x128xf32, #tpu.memory_space<vmem_shared>>
      tpu.enqueue_dma source(%dma_start3A_382 : memref<624x128xf32, #tpu.memory_space<vmem_shared>>) target(%dma_start3A_380 : memref<624x128xf32, #tpu.memory_space<hbm>>) target_semaphore(%run_scoped3A_378 : memref<!tpu.dma_semaphore, #tpu.memory_space<semaphore_mem>>)
      %dma_wait3A_383 = arith.constant 0 : i32
      %dma_wait3A_384 = tpu.memref_slice %arg5[%add3A_373, %dma_wait3A_383] : memref<20000x128xf32, #tpu.memory_space<hbm>> -> memref<624x128xf32, #tpu.memory_space<hbm>>
      %dma_wait3A_385 = arith.constant 0 : i32
      %dma_wait3A_386 = tpu.memref_slice %arg11[%mul3A_370, %dma_wait3A_385] : memref<10112x128xf32, #tpu.memory_space<vmem_shared>> -> memref<624x128xf32, #tpu.memory_space<vmem_shared>>
      tpu.wait_dma2 semaphore(%run_scoped3A_378 : memref<!tpu.dma_semaphore, #tpu.memory_space<semaphore_mem>>) src(%dma_wait3A_386 : memref<624x128xf32, #tpu.memory_space<vmem_shared>>) dst(%dma_wait3A_384 : memref<624x128xf32, #tpu.memory_space<hbm>>)
      tpu.yield
    }) : () -> ()
    %eq3A = arith.constant 15 : i32
    %eq3A_374 = arith.cmpi eq, %arg1, %eq3A : i32
    %convert_element_type3A = arith.extui %eq3A_374 : i1 to i32
    %cond3A = arith.constant 0 : i32
    %cond3A_375 = arith.cmpi ne, %convert_element_type3A, %cond3A : i32
    scf.if %cond3A_375 {
      %mul3A_378 = arith.constant 10000 : i32
      %mul3A_379 = arith.muli %arg0, %mul3A_378 : i32
      %add3A_380 = arith.constant 9984 : i32
      %add3A_381 = arith.addi %mul3A_379, %add3A_380 : i32
      "tpu.region"() ({
        %run_scoped3A_382 = tpu.sem_alloc : memref<!tpu.dma_semaphore, #tpu.memory_space<semaphore_mem>>
        %dma_start3A_383 = arith.constant 0 : i32
        %dma_start3A_384 = tpu.memref_slice %arg5[%add3A_381, %dma_start3A_383] : memref<20000x128xf32, #tpu.memory_space<hbm>> -> memref<16x128xf32, #tpu.memory_space<hbm>>
        %dma_start3A_385 = arith.constant 9984 : i32
        %dma_start3A_386 = arith.constant 0 : i32
        %dma_start3A_387 = tpu.memref_slice %arg11[%dma_start3A_385, %dma_start3A_386] : memref<10112x128xf32, #tpu.memory_space<vmem_shared>> -> memref<16x128xf32, #tpu.memory_space<vmem_shared>>
        tpu.enqueue_dma source(%dma_start3A_387 : memref<16x128xf32, #tpu.memory_space<vmem_shared>>) target(%dma_start3A_384 : memref<16x128xf32, #tpu.memory_space<hbm>>) target_semaphore(%run_scoped3A_382 : memref<!tpu.dma_semaphore, #tpu.memory_space<semaphore_mem>>)
        %dma_wait3A_388 = arith.constant 0 : i32
        %dma_wait3A_389 = tpu.memref_slice %arg5[%add3A_381, %dma_wait3A_388] : memref<20000x128xf32, #tpu.memory_space<hbm>> -> memref<16x128xf32, #tpu.memory_space<hbm>>
        %dma_wait3A_390 = arith.constant 9984 : i32
        %dma_wait3A_391 = arith.constant 0 : i32
        %dma_wait3A_392 = tpu.memref_slice %arg11[%dma_wait3A_390, %dma_wait3A_391] : memref<10112x128xf32, #tpu.memory_space<vmem_shared>> -> memref<16x128xf32, #tpu.memory_space<vmem_shared>>
        tpu.wait_dma2 semaphore(%run_scoped3A_382 : memref<!tpu.dma_semaphore, #tpu.memory_space<semaphore_mem>>) src(%dma_wait3A_392 : memref<16x128xf32, #tpu.memory_space<vmem_shared>>) dst(%dma_wait3A_389 : memref<16x128xf32, #tpu.memory_space<hbm>>)
        tpu.yield
      }) : () -> ()
    } else {
    }
    %mul3A_376 = arith.constant 10000 : i32
    %mul3A_377 = arith.muli %add3A, %mul3A_376 : i32
    %run_scoped3A = arith.constant 0 : i32
    "tpu.region"() ({
      %run_scoped3A_378 = tpu.sem_alloc : memref<!tpu.dma_semaphore, #tpu.memory_space<semaphore_mem>>
      %dma_start3A_379 = tpu.memref_slice %arg10[%run_scoped3A] : memref<10112xf32, #tpu.memory_space<vmem>> -> memref<10000xf32, #tpu.memory_space<vmem>>
      %dma_start3A_380 = tpu.memref_slice %arg6[%mul3A_377] : memref<320000xf32, #tpu.memory_space<hbm>> -> memref<10000xf32, #tpu.memory_space<hbm>>
      %dma_start3A_381 = tpu.memref_slice %arg6[%mul3A_377] : memref<320000xf32, #tpu.memory_space<hbm>> -> memref<10000xf32, #tpu.memory_space<hbm>>
      %dma_start3A_382 = tpu.memref_slice %arg10[%run_scoped3A] : memref<10112xf32, #tpu.memory_space<vmem>> -> memref<10000xf32, #tpu.memory_space<vmem>>
      tpu.enqueue_dma source(%dma_start3A_382 : memref<10000xf32, #tpu.memory_space<vmem>>) target(%dma_start3A_381 : memref<10000xf32, #tpu.memory_space<hbm>>) target_semaphore(%run_scoped3A_378 : memref<!tpu.dma_semaphore, #tpu.memory_space<semaphore_mem>>)
      %dma_wait3A_383 = tpu.memref_slice %arg10[%run_scoped3A] : memref<10112xf32, #tpu.memory_space<vmem>> -> memref<10000xf32, #tpu.memory_space<vmem>>
      %dma_wait3A_384 = tpu.memref_slice %arg6[%mul3A_377] : memref<320000xf32, #tpu.memory_space<hbm>> -> memref<10000xf32, #tpu.memory_space<hbm>>
      %dma_wait3A_385 = tpu.memref_slice %arg6[%mul3A_377] : memref<320000xf32, #tpu.memory_space<hbm>> -> memref<10000xf32, #tpu.memory_space<hbm>>
      %dma_wait3A_386 = tpu.memref_slice %arg10[%run_scoped3A] : memref<10112xf32, #tpu.memory_space<vmem>> -> memref<10000xf32, #tpu.memory_space<vmem>>
      tpu.wait_dma2 semaphore(%run_scoped3A_378 : memref<!tpu.dma_semaphore, #tpu.memory_space<semaphore_mem>>) src(%dma_wait3A_386 : memref<10000xf32, #tpu.memory_space<vmem>>) dst(%dma_wait3A_385 : memref<10000xf32, #tpu.memory_space<hbm>>)
      tpu.yield
    }) : () -> ()
    return
  }
}

module attributes {stable_mosaic.version = 14 : i64} {
  func.func @_dense1_body(%arg0: i32, %arg1: memref<5000x128xf32, #tpu.memory_space<vmem>>, %arg2: memref<128x128xf32, #tpu.memory_space<vmem>>, %arg3: memref<1x128xf32, #tpu.memory_space<vmem>>, %arg4: memref<5000x128xf32, #tpu.memory_space<vmem>>) attributes {dimension_semantics = [#tpu.dimension_semantics<arbitrary>], iteration_bounds = array<i64: 2>, scalar_prefetch = 0 : i64, scratch_operands = 0 : i64, tpu.core_type = #tpu.core_type<tc>, window_params = [{transform_indices = @transform_0, window_bounds = array<i64: 5000, 128>}, {pipeline_mode = #tpu.pipeline_mode<synchronous>, transform_indices = @transform_1, window_bounds = array<i64: 128, 128>}, {pipeline_mode = #tpu.pipeline_mode<synchronous>, transform_indices = @transform_2, window_bounds = array<i64: 1, 128>}, {transform_indices = @transform_3, window_bounds = array<i64: 5000, 128>}]} {
    %get3A = arith.constant 0 : index
    %get3A_0 = arith.constant 0 : index
    %get3A_1 = vector.load %arg1[%get3A, %get3A_0] : memref<5000x128xf32, #tpu.memory_space<vmem>>, vector<5000x128xf32>
    %get3A_2 = arith.constant 0 : index
    %get3A_3 = arith.constant 0 : index
    %get3A_4 = vector.load %arg2[%get3A_2, %get3A_3] : memref<128x128xf32, #tpu.memory_space<vmem>>, vector<128x128xf32>
    %dot_general3A = arith.constant dense<0.000000e+00> : vector<5000x128xf32>
    %dot_general3A_5 = tpu.matmul %get3A_1, %get3A_4, %dot_general3A {dimension_numbers = #tpu.dot_dimension_numbers<[1], [0], [0], [1], [0, 0, 1, 1], [], []>, transpose_lhs_hint = false} : vector<5000x128xf32>, vector<128x128xf32>, vector<5000x128xf32> -> vector<5000x128xf32>
    %get3A_6 = arith.constant 0 : index
    %get3A_7 = arith.constant 0 : index
    %get3A_8 = vector.load %arg3[%get3A_6, %get3A_7] : memref<1x128xf32, #tpu.memory_space<vmem>>, vector<1x128xf32>
    %add3A = vector.broadcast %get3A_8 : vector<1x128xf32> to vector<5000x128xf32>
    %add3A_9 = arith.addf %dot_general3A_5, %add3A : vector<5000x128xf32>
    %swap3A = arith.constant 0 : index
    %swap3A_10 = arith.constant 0 : index
    %swap3A_11 = vector.load %arg4[%swap3A, %swap3A_10] : memref<5000x128xf32, #tpu.memory_space<vmem>>, vector<5000x128xf32>
    tpu.vector_store %arg4[%swap3A, %swap3A_10], %add3A_9 {strides = array<i32>} : memref<5000x128xf32, #tpu.memory_space<vmem>>, vector<5000x128xf32>,
    return
  }
  func.func @transform_0(%arg0: i32) -> (i32, i32) {
    %c0_i32 = arith.constant 0 : i32
    %c0_i32_0 = arith.constant 0 : i32
    return %arg0, %c0_i32 : i32, i32
  }
  func.func @transform_1(%arg0: i32) -> (i32, i32) {
    %c0_i32 = arith.constant 0 : i32
    %c0_i32_0 = arith.constant 0 : i32
    %c0_i32_1 = arith.constant 0 : i32
    return %c0_i32, %c0_i32_0 : i32, i32
  }
  func.func @transform_2(%arg0: i32) -> (i32, i32) {
    %c0_i32 = arith.constant 0 : i32
    %c0_i32_0 = arith.constant 0 : i32
    %c0_i32_1 = arith.constant 0 : i32
    return %c0_i32, %c0_i32_0 : i32, i32
  }
  func.func @transform_3(%arg0: i32) -> (i32, i32) {
    %c0_i32 = arith.constant 0 : i32
    %c0_i32_0 = arith.constant 0 : i32
    return %arg0, %c0_i32 : i32, i32
  }
}

module attributes {stable_mosaic.version = 14 : i64} {
  func.func @_dense_body(%arg0: i32, %arg1: memref<2x5000x128xf32, #tpu.memory_space<vmem>>, %arg2: memref<5000x32xf32, #tpu.memory_space<vmem>>, %arg3: memref<5000x128xf32, #tpu.memory_space<vmem>>, %arg4: memref<128x128xf32, #tpu.memory_space<vmem>>, %arg5: memref<128x4xf32, #tpu.memory_space<vmem>>, %arg6: memref<1x4xf32, #tpu.memory_space<vmem>>, %arg7: memref<5000x4xf32, #tpu.memory_space<vmem>>) attributes {dimension_semantics = [#tpu.dimension_semantics<arbitrary>], iteration_bounds = array<i64: 2>, scalar_prefetch = 0 : i64, scratch_operands = 0 : i64, tpu.core_type = #tpu.core_type<tc>, window_params = [{transform_indices = @transform_0, window_bounds = array<i64: 2, 5000, 128>}, {transform_indices = @transform_1, window_bounds = array<i64: 5000, 32>}, {transform_indices = @transform_2, window_bounds = array<i64: 5000, 128>}, {pipeline_mode = #tpu.pipeline_mode<synchronous>, transform_indices = @transform_3, window_bounds = array<i64: 128, 128>}, {pipeline_mode = #tpu.pipeline_mode<synchronous>, transform_indices = @transform_4, window_bounds = array<i64: 128, 4>}, {pipeline_mode = #tpu.pipeline_mode<synchronous>, transform_indices = @transform_5, window_bounds = array<i64: 1, 4>}, {transform_indices = @transform_6, window_bounds = array<i64: 5000, 4>}]} {
    %get3A = arith.constant 0 : index
    %get3A_0 = arith.constant 0 : index
    %get3A_1 = arith.constant 0 : index
    %get3A_2 = vector.load %arg1[%get3A, %get3A_0, %get3A_1] : memref<2x5000x128xf32, #tpu.memory_space<vmem>>, vector<1x5000x128xf32>
    %get3A_3 = vector.shape_cast %get3A_2 : vector<1x5000x128xf32> to vector<5000x128xf32>
    %get3A_4 = arith.constant 1 : index
    %get3A_5 = arith.constant 0 : index
    %get3A_6 = arith.constant 0 : index
    %get3A_7 = vector.load %arg1[%get3A_4, %get3A_5, %get3A_6] : memref<2x5000x128xf32, #tpu.memory_space<vmem>>, vector<1x5000x128xf32>
    %get3A_8 = vector.shape_cast %get3A_7 : vector<1x5000x128xf32> to vector<5000x128xf32>
    %add3A = arith.addf %get3A_3, %get3A_8 : vector<5000x128xf32>
    %get3A_9 = arith.constant 0 : index
    %get3A_10 = arith.constant 0 : index
    %get3A_11 = vector.load %arg2[%get3A_9, %get3A_10] : memref<5000x32xf32, #tpu.memory_space<vmem>>, vector<5000x32xf32>
    %reduce_sum3A = arith.constant dense<0.000000e+00> : vector<5000xf32>
    %reduce_sum3A_12 = vector.multi_reduction <add>, %get3A_11, %reduce_sum3A [1] : vector<5000x32xf32> to vector<5000xf32>
    %broadcast_in_dim3A = vector.shape_cast %reduce_sum3A_12 : vector<5000xf32> to vector<5000x1xf32>
    %max3A = arith.constant 1.000000e+00 : f32
    %max3A_13 = vector.broadcast %max3A : f32 to vector<5000x1xf32>
    %max3A_14 = arith.maximumf %broadcast_in_dim3A, %max3A_13 : vector<5000x1xf32>
    %div3A = arith.constant 1.000000e+00 : f32
    %div3A_15 = vector.broadcast %div3A : f32 to vector<5000x1xf32>
    %div3A_16 = arith.divf %div3A_15, %max3A_14 : vector<5000x1xf32>
    %mul3A = vector.broadcast %div3A_16 : vector<5000x1xf32> to vector<5000x128xf32>
    %mul3A_17 = arith.mulf %add3A, %mul3A : vector<5000x128xf32>
    %get3A_18 = arith.constant 0 : index
    %get3A_19 = arith.constant 0 : index
    %get3A_20 = vector.load %arg4[%get3A_18, %get3A_19] : memref<128x128xf32, #tpu.memory_space<vmem>>, vector<128x128xf32>
    %dot_general3A = arith.constant dense<0.000000e+00> : vector<5000x128xf32>
    %dot_general3A_21 = tpu.matmul %mul3A_17, %get3A_20, %dot_general3A {dimension_numbers = #tpu.dot_dimension_numbers<[1], [0], [0], [1], [0, 0, 1, 1], [], []>, transpose_lhs_hint = false} : vector<5000x128xf32>, vector<128x128xf32>, vector<5000x128xf32> -> vector<5000x128xf32>
    %get3A_22 = arith.constant 0 : index
    %get3A_23 = arith.constant 0 : index
    %get3A_24 = vector.load %arg3[%get3A_22, %get3A_23] : memref<5000x128xf32, #tpu.memory_space<vmem>>, vector<5000x128xf32>
    %add3A_25 = arith.addf %dot_general3A_21, %get3A_24 : vector<5000x128xf32>
    %max3A_26 = arith.constant 0.000000e+00 : f32
    %max3A_27 = vector.broadcast %max3A_26 : f32 to vector<5000x128xf32>
    %max3A_28 = arith.maximumf %add3A_25, %max3A_27 : vector<5000x128xf32>
    %get3A_29 = arith.constant 0 : index
    %get3A_30 = arith.constant 0 : index
    %get3A_31 = vector.load %arg5[%get3A_29, %get3A_30] : memref<128x4xf32, #tpu.memory_space<vmem>>, vector<128x4xf32>
    %dot_general3A_32 = arith.constant dense<0.000000e+00> : vector<5000x4xf32>
    %dot_general3A_33 = tpu.matmul %max3A_28, %get3A_31, %dot_general3A_32 {dimension_numbers = #tpu.dot_dimension_numbers<[1], [0], [0], [1], [0, 0, 1, 1], [], []>, transpose_lhs_hint = false} : vector<5000x128xf32>, vector<128x4xf32>, vector<5000x4xf32> -> vector<5000x4xf32>
    %get3A_34 = arith.constant 0 : index
    %get3A_35 = arith.constant 0 : index
    %get3A_36 = vector.load %arg6[%get3A_34, %get3A_35] : memref<1x4xf32, #tpu.memory_space<vmem>>, vector<1x4xf32>
    %add3A_37 = vector.broadcast %get3A_36 : vector<1x4xf32> to vector<5000x4xf32>
    %add3A_38 = arith.addf %dot_general3A_33, %add3A_37 : vector<5000x4xf32>
    %logistic3A = arith.negf %add3A_38 : vector<5000x4xf32>
    %logistic3A_39 = math.exp %logistic3A : vector<5000x4xf32>
    %logistic3A_40 = arith.constant 1.000000e+00 : f32
    %logistic3A_41 = vector.broadcast %logistic3A_40 : f32 to vector<5000x4xf32>
    %logistic3A_42 = arith.addf %logistic3A_41, %logistic3A_39 : vector<5000x4xf32>
    %logistic3A_43 = arith.divf %logistic3A_41, %logistic3A_42 : vector<5000x4xf32>
    %swap3A = arith.constant 0 : index
    %swap3A_44 = arith.constant 0 : index
    %swap3A_45 = vector.load %arg7[%swap3A, %swap3A_44] : memref<5000x4xf32, #tpu.memory_space<vmem>>, vector<5000x4xf32>
    tpu.vector_store %arg7[%swap3A, %swap3A_44], %logistic3A_43 {strides = array<i32>} : memref<5000x4xf32, #tpu.memory_space<vmem>>, vector<5000x4xf32>,
    return
  }
  func.func @transform_0(%arg0: i32) -> (i32, i32, i32) {
    %c0_i32 = arith.constant 0 : i32
    %c0_i32_0 = arith.constant 0 : i32
    %c0_i32_1 = arith.constant 0 : i32
    return %c0_i32, %arg0, %c0_i32_0 : i32, i32, i32
  }
  func.func @transform_1(%arg0: i32) -> (i32, i32) {
    %c0_i32 = arith.constant 0 : i32
    %c0_i32_0 = arith.constant 0 : i32
    return %arg0, %c0_i32 : i32, i32
  }
  func.func @transform_2(%arg0: i32) -> (i32, i32) {
    %c0_i32 = arith.constant 0 : i32
    %c0_i32_0 = arith.constant 0 : i32
    return %arg0, %c0_i32 : i32, i32
  }
  func.func @transform_3(%arg0: i32) -> (i32, i32) {
    %c0_i32 = arith.constant 0 : i32
    %c0_i32_0 = arith.constant 0 : i32
    %c0_i32_1 = arith.constant 0 : i32
    return %c0_i32, %c0_i32_0 : i32, i32
  }
  func.func @transform_4(%arg0: i32) -> (i32, i32) {
    %c0_i32 = arith.constant 0 : i32
    %c0_i32_0 = arith.constant 0 : i32
    %c0_i32_1 = arith.constant 0 : i32
    return %c0_i32, %c0_i32_0 : i32, i32
  }
  func.func @transform_5(%arg0: i32) -> (i32, i32) {
    %c0_i32 = arith.constant 0 : i32
    %c0_i32_0 = arith.constant 0 : i32
    %c0_i32_1 = arith.constant 0 : i32
    return %c0_i32, %c0_i32_0 : i32, i32
  }
  func.func @transform_6(%arg0: i32) -> (i32, i32) {
    %c0_i32 = arith.constant 0 : i32
    %c0_i32_0 = arith.constant 0 : i32
    return %arg0, %c0_i32 : i32, i32
  }
}

</mosaic_0001>

<sc_bundles>
// kernel: kernel.5.cloned.1.call-start
scs
__scs_entry_jumppad:
0x0: {  	(pc) =	sbr.rel $0x88, $3  }
0x1: {  	(tag) =	ssettag $0x0;
	lr =	simm.s32 $0x1  }
0x2: {  	[smem:$0x3F9A] =	sst lr;
	_ =	strace $0xD0000000  }
0x3: {  	_ = 	snop  }
0x4: {  	_ = 	snop  }
0x5: {  	_ = 	snop  }
0x6: {  	_ = 	snop  }
0x7: {  	_ = 	snop  }
__scs_overlays_trampoline_lowered:
0x8: {  	[smem:$0x3FA9] =	sst s0  }
0x9: {  	[smem:$0x3FAA] =	sst s1  }
0xa: {  	[smem:$0x3FAB] =	sst s2  }
0xb: {  	[smem:$0x3FAC] =	sst s3  }
0xc: {  	[smem:$0x3FAD] =	sst s4  }
0xd: {  	[smem:$0x3FAE] =	sst s5  }
0xe: {  	[smem:$0x3FAF] =	sst s6  }
0xf: {  	[smem:$0x3FB0] =	sst s7  }
0x10: {  	[smem:$0x3FB1] =	sst s8  }
0x11: {  	[smem:$0x3FB2] =	sst s9;
	s0 =	simm.s32 @!p0 $0x0  }
0x12: {  	s1 =	sld [smem:$0x3F98];
	s0 =	simm.s32 @p0 $0x1  }
0x13: {  	[smem:$0x3FB3] =	sst s0;
	s0 =	simm.s32 @!p1 $0x0  }
0x14: {  	s2 =	sld [smem:$0x3F97];
	s0 =	simm.s32 @p1 $0x1  }
0x15: {  	[smem:$0x3FB4] =	sst s0;
	s0 =	simm.s32 @!p2 $0x0  }
0x16: {  	s3 =	sld [smem:$0x3FDB];
	s0 =	simm.s32 @p2 $0x1  }
0x17: {  	s4 =	simm.s32 $0x1BF5;
	[smem:$0x3FB6] =	sst s0  }
0x18: {  	s0 =	sld [smem:$0x3F99];
	_ =	swait.ge [sflag:s4], $0x0  }
0x19: {  	s7 =	sld [smem:$0x3F9A]  }
0x1a: {  	s8 =	sadd.s32 $0xFFFFE003, lr  }
0x1b: {  	s9 =	sadd.s32 $0xFFFFFEF7, lr;
	s5 =	simm.s32 $0xFFFFFFFF;
	p2 =	slt.u32 s8, $0xFFFFF086  }
0x1c: {  	p1 =	slt.u32 s9, $0xF7A;
	s5 =	simm.s32 @!p2 $0x0  }
0x1d: {  	s5 =	simm.s32 @p1 $0x1;
	p0 =	seq.s32 s7, s2  }
0x1e: {  	s7 =	smul.u32 @!p0 $0xF7A, s2;
	p2 =	seq.s32 @!p0 s5, $0x0  }
0x1f: {  	s9 =	smul.u32 $0xF7A, s1;
	s8 =	simm.s32 @!p0 $0x1BF5;
	p2 =	por !p2, p0  }
0x20: {  	[sflag:s8] =	ssyncset.s32 @!p0 $0xFFFFF086;
	s6 =	sadd.s32 @!p0 s3, s7;
	s7 =	simm.s32 @!p0 $0x108  }
0x21: {  	s3 =	sadd.s32 s3, s9;
	s6 =	sadd.s32 @!p0 $0x88, s6;
	s7 =	simm.s32 @p2 $0x1082  }
0x22: {  	[simem:s7], [sflag:s8] =	dma.local @!p0 [hbm:s6], $0xF7A  }
0x23: {  	s9 =	sor.u32 $0xD0000000, s2;
	s6 =	simm.s32 $0x108;
	_ =	swait.ge @!p0 [sflag:s8], $0x0  }
0x24: {  	s3 =	sadd.s32 $0x88, s3;
	s6 =	simm.s32 @!p1 $0x1082;
	[sflag:s4] =	ssyncset.s32 $0xFFFFF086  }
0x25: {  	[simem:s6], [sflag:s4] =	dma.local [hbm:s3], $0xF7A  }
0x26: {  	[smem:$0x3F9A] =	sst s1;
	(tag) =	ssettag s2;
	_ =	strace s9  }
0x27: {  	s1 =	sld [smem:$0x3FAA]  }
0x28: {  	s2 =	sld [smem:$0x3FAB]  }
0x29: {  	s4 =	sld [smem:$0x3FAD]  }
0x2a: {  	p0 =	seq.s32 s5, $0x0;
	s5 =	sld [smem:$0x3FAE]  }
0x2b: {  	s6 =	sld [smem:$0x3FAF]  }
0x2c: {  	s7 =	sld [smem:$0x3FB0]  }
0x2d: {  	s3 =	simm.s32 $0x108;
	s8 =	sld [smem:$0x3FB1]  }
0x2e: {  	s3 =	simm.s32 @!p0 $0x1082;
	s9 =	sld [smem:$0x3FB2]  }
0x2f: {  	lr =	sadd.s32 s0, s3;
	s0 =	sld [smem:$0x3FA9]  }
0x30: {  	s3 =	sld [smem:$0x3FAC]  }
0x31: {  	[smem:$0x3FB5] =	sst s10  }
0x32: {  	s10 =	sld [smem:$0x3FB3];
	_ =	sdelay $0x3  }
0x33: {  	p0 =	seq.s32 s10, $0x1;
	s10 =	sld [smem:$0x3FB5];
	_ =	sdelay $0x3  }
0x34: {  	[smem:$0x3FB5] =	sst s10  }
0x35: {  	s10 =	sld [smem:$0x3FB4];
	_ =	sdelay $0x3  }
0x36: {  	p1 =	seq.s32 s10, $0x1;
	s10 =	sld [smem:$0x3FB5];
	_ =	sdelay $0x3  }
0x37: {  	[smem:$0x3FB5] =	sst s10  }
0x38: {  	s10 =	sld [smem:$0x3FB6]  }
0x39: {  	_ = 	snop;
	(pc) =	sbr.ind lr, $3  }
0x3a: {  	_ = 	snop  }
0x3b: {  	_ = 	snop  }
0x3c: {  	p2 =	seq.s32 s10, $0x1;
	s10 =	sld [smem:$0x3FB5]  }
0x3d: {  	_ =	shalt  }
0x3e: {  	_ =	shalt  }
0x3f: {  	_ =	shalt  }
0x40: {  	_ =	shalt  }
0x41: {  	_ =	shalt  }
0x42: {  	_ =	shalt  }
0x43: {  	_ =	shalt  }
0x44: {  	_ =	shalt  }
0x45: {  	_ =	shalt  }
0x46: {  	_ =	shalt  }
0x47: {  	_ =	shalt  }
0x48: {  	_ =	shalt  }
0x49: {  	_ =	shalt  }
0x4a: {  	_ =	shalt  }
0x4b: {  	_ =	shalt  }
0x4c: {  	_ =	shalt  }
0x4d: {  	_ =	shalt  }
0x4e: {  	_ =	shalt  }
0x4f: {  	_ =	shalt  }
0x50: {  	_ =	shalt  }
0x51: {  	_ =	shalt  }
0x52: {  	_ =	shalt  }
0x53: {  	_ =	shalt  }
0x54: {  	_ =	shalt  }
0x55: {  	_ =	shalt  }
0x56: {  	_ =	shalt  }
0x57: {  	_ =	shalt  }
0x58: {  	_ =	shalt  }
0x59: {  	_ =	shalt  }
0x5a: {  	_ =	shalt  }
0x5b: {  	_ =	shalt  }
0x5c: {  	_ =	shalt  }
0x5d: {  	_ =	shalt  }
0x5e: {  	_ =	shalt  }
0x5f: {  	_ =	shalt  }
0x60: {  	_ =	shalt  }
0x61: {  	_ =	shalt  }
0x62: {  	_ =	shalt  }
0x63: {  	_ =	shalt  }
0x64: {  	_ =	shalt  }
0x65: {  	_ =	shalt  }
0x66: {  	_ =	shalt  }
0x67: {  	_ =	shalt  }
0x68: {  	_ =	shalt  }
0x69: {  	_ =	shalt  }
0x6a: {  	_ =	shalt  }
0x6b: {  	_ =	shalt  }
0x6c: {  	_ =	shalt  }
0x6d: {  	_ =	shalt  }
0x6e: {  	_ =	shalt  }
0x6f: {  	_ =	shalt  }
0x70: {  	_ =	shalt  }
0x71: {  	_ =	shalt  }
0x72: {  	_ =	shalt  }
0x73: {  	_ =	shalt  }
0x74: {  	_ =	shalt  }
0x75: {  	_ =	shalt  }
0x76: {  	_ =	shalt  }
0x77: {  	_ =	shalt  }
0x78: {  	_ =	shalt  }
0x79: {  	_ =	shalt  }
0x7a: {  	_ =	shalt  }
0x7b: {  	_ =	shalt  }
0x7c: {  	_ =	shalt  }
0x7d: {  	_ =	shalt  }
0x7e: {  	_ =	shalt  }
0x7f: {  	_ =	shalt  }
0x80: {  	_ =	shalt  }
0x81: {  	_ =	shalt  }
0x82: {  	_ =	shalt  }
0x83: {  	_ =	shalt  }
0x84: {  	_ =	shalt  }
0x85: {  	_ =	shalt  }
0x86: {  	_ =	shalt  }
0x87: {  	_ =	shalt  }
.Lfunc_end0:
.L_simem_size_0:
called_computation_lowered:
.L_overlay_start_0:
0x88: {  	s2 =	sld [smem:$0x3FD9]  }
0x89: {  	s3 =	sld [smem:$0x3FFE];
	_ =	sdelay $0x1  }
0x8a: {  	s1 =	srdreg.scid  }
0x8b: {  	s0 =	sand.u32 $0x1, s1  }
0x8c: {  	s17 =	sshll.u32 s0, $0xA;
	s2 =	sadd.s32 s3, s2  }
0x8d: {  	s2 =	sadd.s32 s2, s17  }
0x8e: {  	[smem:$0x3FC1] =	sst s2  }
0x8f: {  	_ = 	snop  }
0x90: {  	s2 =	sld [smem:$0x3FC9];
	(tm) =	ssettm $0x1  }
0x91: {  	s18 =	sld [smem:$0x3FFB];
	_ =	sdelay $0x3  }
0x92: {  	_ =	strace s18  }
0x93: {  	s3 =	sld [smem:$0x3FFC];
	_ =	sdelay $0x3  }
0x94: {  	_ =	strace s3  }
0x95: {  	s3 =	sld [smem:$0x3FFD];
	_ =	sdelay $0x3  }
0x96: {  	_ =	strace s3  }
0x97: {  	_ =	strace $0x8FFFFFFF  }
0x98: {  	s19 =	sld [smem:$0x3FDB];
	_ =	sdelay $0x1  }
0x99: {  	s4 =	simm.s32 $_scs_section_size  }
0x9a: {  	s5 =	simm.s32 $_size__tile_overlayer_lowered;
	s6 =	simm.s32 $_tile_overlayer_lowered  }
0x9b: {  	s22 =	simm.s32 $0x1BFF;
	s21 =	sshll.u32 s6, $0x1;
	s3 =	sadd.s32 s4, s19  }
0x9c: {  	s7 =	simm.s32 $0x0;
	s20 =	sshll.u32 s5, $0x1;
	s5 =	sadd.s32 s21, s3  }
0x9d: {  	[timem:s7], [sflag:s22] =	dma.local [hbm:s5], s20  }
0x9e: {  	_ =	swait.ge [sflag:s22], s20  }
0x9f: {  	s4 =	ssub.s32 $0x0, s20;
	[sflag:s22] =	ssyncset.done $0x0  }
0xa0: {  	[sflag:s22] =	ssyncadd.s32 s4;
	_ =	sdelay $0x1  }
0xa1: {  	s23 =	simm.s32 $0x1B8B  }
0xa2: {  	_ =	swait.ge [sflag:s23], $0x1  }
0xa3: {  	[sflag:s23] =	ssyncset.done $0x0  }
0xa4: {  	s25 =	simm.s32 $0x1B8E;
	s24 =	sld [smem:$0x3FFE];
	[sflag:s23] =	ssyncadd.s32 $0xFFFFFFFF  }
0xa5: {  	s26 =	simm.s32 $execute0_lowered;
	[smem:$0x3FD2] =	sst s25  }
0xa6: {  	s5 =	sshll.u32 s26, $0x1;
	_ =	strace $0x80000046;
	[dreg:$0x1] =	wrdreg $0xFFFFFFFF  }
0xa7: {  	s28 =	simm.s32 $_size_execute0_lowered;
	s3 =	sadd.s32 s3, s5;
	[dreg:$0x0] =	wrdreg $0x0  }
0xa8: {  	s5 =	sshll.u32 s28, $0x1;
	[dreg:$0x2] =	wrdreg s3  }
0xa9: {  	[dreg:$0x3] =	wrdreg s5  }
0xaa: {  	[dreg:$0x4] =	wrdreg $0xC0  }
0xab: {  	_ =	task [dreg:s7], $0x5FFFF  }
0xac: {  	[dreg:$0x1] =	wrdreg $0xFFFFFFFF  }
0xad: {  	[dreg:$0x0] =	wrdreg $0x60  }
0xae: {  	[dreg:$0x2] =	wrdreg s24  }
0xaf: {  	[dreg:$0x3] =	wrdreg s2  }
0xb0: {  	[dreg:$0x4] =	wrdreg $0x79800  }
0xb1: {  	[dreg:$0x5] =	wrdreg $0x9  }
0xb2: {  	_ =	task.clear_ibuf [dreg:s7], $0x6FFFF;
	_ =	strace $0x90000046  }
0xb3: {  	s29 =	simm.s32 $0x9;
	_ =	strace $0x80000048  }
0xb4: {  	_ =	swait.ge [sflag:s29], $0x1  }
0xb5: {  	[sflag:s29] =	ssyncadd.s32 $0xFFFFFFFF  }
0xb6: {  	_ =	strace $0x90000048  }
0xb7: {  	_ =	sfence  }
0xb8: {  	s30 =	sld [smem:$0x0];
	_ =	sdelay $0x2  }
0xb9: {  	s31 =	sshll.u32 s1, $0xD;
	s1 =	sshrl.u32 s1, $0x2  }
0xba: {  	s3 =	sand.u32 $0x4000, s31;
	s1 =	sadd.s32 s1, s30  }
0xbb: {  	s0 =	sor.u32 s3, s0;
	s1 =	sshll.u32 s1, $0x11  }
0xbc: {  	s0 =	sor.u32 s1, s0  }
0xbd: {  	s0 =	sadd.s32 $0x8F2B, s0  }
0xbe: {  	[sflag:s0] =	ssyncadd.remote.s32 $0x1  }
0xbf: {  	_ =	sfence.sel $0xFFFF  }
0xc0: {  	[dreg:$0x0] =	wrdreg $0xFFFFFFFF;
	(pc) =	sbr.abs _section_cstart, $3  }
0xc1: {  	[dreg:$0x1] =	wrdreg $0xFFFFFFFF  }
0xc2: {  	_ =	task.clear_ibuf [dreg:s7], $0x2FFFF;
	_ =	strace $0x9FFFFFFF  }
0xc3: {  	(tm) =	ssettm $0x7FFFFFFF  }
tec
execute0_lowered:
.L_overlay_start_1:
0x0: {  	(tag) =	ssettag $0x1  }
0x1: {  	s0 =	rddreg [dreg:$0x0]  }
0x2: {  	s1 =	rddreg [dreg:$0x1]  }
0x3: {  	s2 =	rddreg [dreg:$0x2];
	s4 =	simm.s32 $0x0  }
0x4: {  	s3 =	srdreg.scid;
	s16 =	stileid.u32;
	s28 =	simm.s32 $0x5  }
0x5: {  	s29 =	simm.s32 $0x100;
	s30 =	simm.s32 $0x3;
	s31 =	simm.s32 $0x50  }
0x6: {  	[smem:$0x7FF] =	sst s4;
	s3 =	sand.u32 $0x1, s3;
	s6 =	sshll.u32 s16, $0x1  }
0x7: {  	s5 =	sadd.s32 $0x11200, s0;
	s7 =	smul.u32 $0x4F000, s16;
	s11 =	sadd.s32 $0x2B000, s0  }
0x8: {  	s19 =	smul.u32 $0x4E000, s16;
	p0 =	sne.s32 s16, $0xF;
	_ =	strace $0x80000047  }
0x9: {  	s8 =	sor.u32 s3, s6;
	s22 =	smul.u32 $0x27100, s3;
	s7 =	sshrl.u32 s7, $0x2  }
0xa: {  	s10 =	ssub.s32 $0x2, s3;
	s3 =	smul.u32 $0x138800, s3;
	s7 =	sadd.s32 s7, s2  }
0xb: {  	s6 =	sadd.s32 $0x1200, s0;
	s9 =	smul.u32 $0x4E2, s8;
	s13 =	sadd.s32 $0x2800, s7  }
0xc: {  	s12 =	sshrl.u32 s10, $0x1;
	s14 =	sadd.s32 $0x5000, s7;
	[dreg:$0x4] =	wrdreg s13  }
0xd: {  	s3 =	sshrl.u32 s3, $0x3;
	s15 =	sadd.s32 $0x7800, s7;
	[dreg:$0x5] =	wrdreg s14  }
0xe: {  	s0 =	sadd.s32 s9, s0;
	s17 =	sadd.s32 $0xA000, s7;
	[dreg:$0x6] =	wrdreg s15  }
0xf: {  	s9 =	ssub.s32 s10, s12;
	s18 =	sadd.s32 $0xC800, s7;
	[dreg:$0x7] =	wrdreg s17  }
0x10: {  	s20 =	sadd.s32 $0xF000, s7;
	s21 =	sadd.s32 $0x11800, s7;
	[dreg:$0x8] =	wrdreg s18  }
0x11: {  	s10 =	sshrl.u32 s19, $0x2;
	s3 =	sadd.s32 s11, s3;
	[dreg:$0x9] =	wrdreg s20  }
0x12: {  	s12 =	simm.s32 $0x180;
	[dreg:$0xa] =	wrdreg s21;
	s15 =	sshll.u32 s8, $0xE  }
0x13: {  	s8 =	sshll.u32 s8, $0xB;
	s13 =	smul.u32 $0x2700, s16;
	s10 =	sadd.s32 s10, s2  }
0x14: {  	s21 =	sadd.s32 $0x27000, s3;
	s3 =	simm.s32 $0x4;
	s14 =	sadd.s32 s5, s8  }
0x15: {  	s23 =	sor.u32 $0x10, s8;
	s8 =	sadd.s32 s6, s8;
	[dreg:$0xb] =	wrdreg s14  }
0x16: {  	[dreg:$0xc] =	wrdreg s8;
	s24 =	sadd.s32 s13, s22;
	s25 =	sadd.s32 s5, s23  }
0x17: {  	s26 =	sadd.s32 s6, s23;
	s8 =	sadd.s32 $0x138000, s2;
	s22 =	sadd.s32 $0x21200, s0  }
.Ltmp0:
0x18: {  	s23 =	smax.u32 s9, $0x1;
	s0 =	simm.s32 $0x80;
	(pc) =	sbr.rel .LBB2_1-.Ltmp0, $4  }
0x19: {  	s9 =	simm.s32 $0x1;
	s13 =	simm.s32 $0x6;
	[dreg:$0xd] =	wrdreg s25  }
0x1a: {  	s14 =	simm.s32 $0x0;
	[dreg:$0xe] =	wrdreg s26;
	s20 =	sadd.s32 s11, s24  }
0x1b: {  	s24 =	sshrl.u32 s10, $0x3;
	s25 =	sshrl.u32 @!p0 s8, $0x3;
	s26 =	simm.s32 $0x200  }
0x1c: {  	v0 =	vimm.f32 $0.0e+00;
	v1 =	vimm.f32 $1.000000000e+00;
	s8 =	simm.s32 $0x2A00;
	s10 =	simm.s32 $0x5200;
	s11 =	simm.s32 $0x2  }
.LBB2_8:
0x1d: {  	s16 =	stileid.u32  }
0x1e: {  	s16 =	sshll.u32 s16, $0x6  }
0x1f: {  	[bflag:$0x0] =	sbarrier.arrive $0xFFFF;
	s16 =	sor.u32 $0x1C06, s16  }
0x20: {  	[hbm:s20], [sflag:s16] =	dma.local [spmem:s24], $0x2700  }
0x21: {  	_ =	swait.ge [sflag:s13], $0x2700  }
0x22: {  	[sflag:s13] =	ssyncset.done $0x0  }
0x23: {  	[sflag:s13] =	ssyncadd.s32 $0xFFFFD900  }
0x24: {  	[hbm:s21], [sflag:s16] =	dma.local @!p0 [spmem:s25], $0x100  }
0x25: {  	s16 =	simm.s32 @!p0 $0x6  }
0x26: {  	s14 =	sadd.s32 $0x1, s14;
	_ =	swait.ge @!p0 [sflag:s16], $0x100  }
0x27: {  	p1 =	sne.s32 s14, s23;
	[sflag:s16] =	ssyncset.done @!p0 $0x0  }
.Ltmp1:
0x28: {  	[sflag:s16] =	ssyncadd.s32 @!p0 $0xFFFFFF00;
	(pc) =	sbr.rel @!p1 .LBB2_9-.Ltmp1, $4  }
0x29: {  	[hbm4b:s22+s4] =	stream.linear.scatter [tilespmem:s10], [sflag:$0x6], $0x2710, $0x38;
	[tilespmem:$0x1B580] =	vst v63  }
0x2a: {  	_ =	swait.ge [sflag:s13], $0x2710  }
0x2b: {  	[sflag:s13] =	ssyncset.done $0x0  }
0x2c: {  	[sflag:s13] =	ssyncadd.s32 $0xFFFFD8F0  }
.LBB2_1:
0x2d: {  	s16 =	simm.s32 $0x0;
	s17 =	simm.s32 $0x200  }
.LBB2_2:
0x2e: {  	p1 =	sne.s32 s17, $0x9E00;
	[tilespmem:s16+$0x270] =	vst v0  }
0x2f: {  	[tilespmem:s16+$0x200] =	vst v0  }
0x30: {  	[tilespmem:s16+$0x210] =	vst v0  }
.Ltmp2:
0x31: {  	[tilespmem:s16+$0x220] =	vst v0;
	(pc) =	sbr.rel @p1 .LBB2_2-.Ltmp2, $4  }
0x32: {  	[tilespmem:s16+$0x230] =	vst v0  }
0x33: {  	[tilespmem:s16+$0x240] =	vst v0  }
0x34: {  	[tilespmem:s16+$0x250] =	vst v0  }
0x35: {  	[tilespmem:s16+$0x260] =	vst v0;
	s16 =	sshra.s32 s17, $0x2;
	s17 =	sadd.s32 $0x200, s17  }
0x36: {  	[tilespmem:s16+$0x270] =	vst v0  }
0x37: {  	[tilespmem:s16+$0x200] =	vst v0  }
0x38: {  	[tilespmem:s16+$0x210] =	vst v0  }
0x39: {  	[tilespmem:s16+$0x220] =	vst v0  }
0x3a: {  	[tilespmem:s16+$0x230] =	vst v0  }
0x3b: {  	[tilespmem:s16+$0x240] =	vst v0  }
0x3c: {  	[tilespmem:s16+$0x250] =	vst v0  }
0x3d: {  	[tilespmem:s16+$0x260] =	vst v0  }
0x3e: {  	[spmem:s7] =	stream.linear.scatter [tilespmem:s26], [sflag:$0x5], $0x2800, $0x38;
	[tilespmem:$0x1B580] =	vst v63  }
0x3f: {  	s19 =	rddreg [dreg:$0x4]  }
0x40: {  	[spmem:s19] =	stream.linear.scatter [tilespmem:s26], [sflag:$0x5], $0x2800, $0x38;
	[tilespmem:$0x1B580] =	vst v63  }
0x41: {  	s17 =	rddreg [dreg:$0x5]  }
0x42: {  	[spmem:s17] =	stream.linear.scatter [tilespmem:s26], [sflag:$0x5], $0x2800, $0x38;
	[tilespmem:$0x1B580] =	vst v63  }
0x43: {  	s18 =	rddreg [dreg:$0x6]  }
0x44: {  	[spmem:s18] =	stream.linear.scatter [tilespmem:s26], [sflag:$0x5], $0x2800, $0x38;
	[tilespmem:$0x1B580] =	vst v63  }
0x45: {  	s19 =	rddreg [dreg:$0x7]  }
0x46: {  	[spmem:s19] =	stream.linear.scatter [tilespmem:s26], [sflag:$0x5], $0x2800, $0x38;
	[tilespmem:$0x1B580] =	vst v63  }
0x47: {  	s17 =	rddreg [dreg:$0x8]  }
0x48: {  	[spmem:s17] =	stream.linear.scatter [tilespmem:s26], [sflag:$0x5], $0x2800, $0x38;
	[tilespmem:$0x1B580] =	vst v63  }
0x49: {  	s18 =	rddreg [dreg:$0x9]  }
0x4a: {  	[spmem:s18] =	stream.linear.scatter [tilespmem:s26], [sflag:$0x5], $0x2800, $0x38;
	[tilespmem:$0x1B580] =	vst v63  }
0x4b: {  	s19 =	rddreg [dreg:$0xa]  }
0x4c: {  	[spmem:s19] =	stream.linear.scatter [tilespmem:s26], [sflag:$0x5], $0x2400, $0x38;
	[tilespmem:$0x1B580] =	vst v63  }
0x4d: {  	_ =	swait.ge [sflag:s28], $0x2800  }
0x4e: {  	[sflag:s28] =	ssyncset.done $0x0  }
0x4f: {  	[sflag:s28] =	ssyncadd.s32 $0xFFFFD800  }
0x50: {  	_ =	swait.ge [sflag:s28], $0x2800  }
0x51: {  	[sflag:s28] =	ssyncset.done $0x0  }
0x52: {  	[sflag:s28] =	ssyncadd.s32 $0xFFFFD800  }
0x53: {  	_ =	swait.ge [sflag:s28], $0x2800  }
0x54: {  	[sflag:s28] =	ssyncset.done $0x0  }
0x55: {  	[sflag:s28] =	ssyncadd.s32 $0xFFFFD800  }
0x56: {  	_ =	swait.ge [sflag:s28], $0x2800  }
0x57: {  	[sflag:s28] =	ssyncset.done $0x0  }
0x58: {  	[sflag:s28] =	ssyncadd.s32 $0xFFFFD800  }
0x59: {  	_ =	swait.ge [sflag:s28], $0x2800  }
0x5a: {  	[sflag:s28] =	ssyncset.done $0x0  }
0x5b: {  	[sflag:s28] =	ssyncadd.s32 $0xFFFFD800  }
0x5c: {  	_ =	swait.ge [sflag:s28], $0x2800  }
0x5d: {  	[sflag:s28] =	ssyncset.done $0x0  }
0x5e: {  	[sflag:s28] =	ssyncadd.s32 $0xFFFFD800  }
0x5f: {  	_ =	swait.ge [sflag:s28], $0x2800  }
0x60: {  	[sflag:s28] =	ssyncset.done $0x0  }
0x61: {  	[sflag:s28] =	ssyncadd.s32 $0xFFFFD800  }
0x62: {  	_ =	swait.ge [sflag:s28], $0x2400  }
0x63: {  	[sflag:s28] =	ssyncset.done $0x0  }
0x64: {  	s16 =	simm.s32 $0x40;
	s17 =	simm.s32 $0x0;
	[sflag:s28] =	ssyncadd.s32 $0xFFFFDC00  }
.LBB2_4:
0x65: {  	p1 =	sne.s32 s16, $0x9DC0;
	[tilespmem:s17+$0x5200] =	vst v0;
	s17 =	smov.u32 s16;
	s16 =	sadd.s32 $0x40, s16  }
.Ltmp3:
0x66: {  	(pc) =	sbr.rel @p1 .LBB2_4-.Ltmp3, $2  }
0x67: {  	_ =	sdelay $0x2  }
0x68: {  	s17 =	sshra.s32 s17, $0x2  }
0x69: {  	[tilespmem:s17+$0x5200] =	vst v0  }
0x6a: {  	[bflag:$0x0] =	sbarrier.arrive $0xFFFF  }
0x6b: {  	s16 =	rddreg [dreg:$0xb]  }
0x6c: {  	[tilespmem:s4], [sflag:$0x3] =	stream.linear.gather [hbm4b:s16+s4], $0x80, $0x38;
	[tilespmem:$0x1B580] =	vst v63  }
0x6d: {  	s17 =	rddreg [dreg:$0xc]  }
0x6e: {  	[tilespmem:s29], [sflag:$0x3] =	stream.linear.gather [hbm4b:s17+s4], $0x80, $0x38;
	[tilespmem:$0x1B580] =	vst v63  }
0x6f: {  	_ =	swait.ge [sflag:s30], $0x80  }
0x70: {  	[sflag:s30] =	ssyncset.done $0x0  }
0x71: {  	[sflag:s30] =	ssyncadd.s32 $0xFFFFFF80  }
0x72: {  	_ =	swait.ge [sflag:s30], $0x80  }
0x73: {  	[sflag:s30] =	ssyncset.done $0x0  }
0x74: {  	[sflag:s30] =	ssyncadd.s32 $0xFFFFFF80  }
0x75: {  	[tilespmem:s26], [sflag:$0x1] =	stream.indirect.gather [hbm4b:s1+s31], $0x80, s4, s31, $0xb8;
	[tilespmem:$0x1B580] =	vst v63  }
0x76: {  	s18 =	rddreg [dreg:$0xd]  }
0x77: {  	[tilespmem:s0], [sflag:$0x4] =	stream.linear.gather [hbm4b:s18+s4], $0x80, $0x38;
	[tilespmem:$0x1B580] =	vst v63  }
0x78: {  	s16 =	simm.s32 $0x180;
	s19 =	rddreg [dreg:$0xe]  }
0x79: {  	[tilespmem:s16], [sflag:$0x4] =	stream.linear.gather [hbm4b:s19+s4], $0x80, $0x38;
	[tilespmem:$0x1B580] =	vst v63  }
.LBB2_6:
0x7a: {  	_ =	swait.ge [sflag:s3], $0x80  }
0x7b: {  	[sflag:s3] =	ssyncset.done $0x0  }
0x7c: {  	[sflag:s3] =	ssyncadd.s32 $0xFFFFFF80  }
0x7d: {  	_ =	swait.ge [sflag:s3], $0x80  }
0x7e: {  	[sflag:s3] =	ssyncset.done $0x0  }
0x7f: {  	[sflag:s3] =	ssyncadd.s32 $0xFFFFFF80  }
0x80: {  	[tilespmem:s8], [sflag:$0x2] =	stream.indirect.gather [hbm4b:s1+s31], $0x80, s0, s31, $0xb8;
	[tilespmem:$0x1B580] =	vst v63  }
0x81: {  	_ =	swait.ge [sflag:s9], $0x2800  }
0x82: {  	[sflag:s9] =	ssyncset.done $0x0  }
0x83: {  	[sflag:s9] =	ssyncadd.s32 $0xFFFFD800  }
0x84: {  	[spmem:s2] =	stream.indirect.scatter.add.f32 [tilespmem:s26], [sflag:$0x5], $0x80, s29, s31, $0xb8;
	[tilespmem:$0x1B580] =	vst v63  }
0x85: {  	v2 =	vld [tilespmem:$0x100];
	_ =	sdelay $0x7  }
0x86: {  	[tilespmem:v2+s10+$0x0] =	vst.idx.add.f32.msk $0xffff, v1  }
0x87: {  	v2 =	vld [tilespmem:$0x110];
	_ =	sdelay $0x7  }
0x88: {  	[tilespmem:v2+s10+$0x0] =	vst.idx.add.f32.msk $0xffff, v1  }
0x89: {  	v2 =	vld [tilespmem:$0x120];
	_ =	sdelay $0x7  }
0x8a: {  	[tilespmem:v2+s10+$0x0] =	vst.idx.add.f32.msk $0xffff, v1  }
0x8b: {  	v2 =	vld [tilespmem:$0x130];
	_ =	sdelay $0x7  }
0x8c: {  	[tilespmem:v2+s10+$0x0] =	vst.idx.add.f32.msk $0xffff, v1  }
0x8d: {  	v2 =	vld [tilespmem:$0x140];
	_ =	sdelay $0x4  }
0x8e: {  	p1 =	seq.s32 s16, $0x3F80  }
0x8f: {  	s17 =	sadd.s32 @!p1 $0xFFFFFF80, s16  }
0x90: {  	s18 =	sand.u32 @!p1 $0x7C00, s17  }
0x91: {  	s17 =	sand.u32 @!p1 $0x300, s17;
	s18 =	sadd.s32 @!p1 s15, s18;
	[tilespmem:v2+s10+$0x0] =	vst.idx.add.f32.msk $0xffff, v1  }
0x92: {  	s17 =	sor.u32 @!p1 s17, s18;
	_ =	swait.ge [sflag:s28], $0x2800  }
0x93: {  	s17 =	sshrl.u32 @!p1 s17, $0x3;
	[sflag:s28] =	ssyncset.done $0x0  }
0x94: {  	s19 =	simm.s32 @!p1 $0x0;
	s18 =	sadd.s32 @!p1 s5, s17;
	[sflag:s28] =	ssyncadd.s32 $0xFFFFD800  }
0x95: {  	[tilespmem:s19], [sflag:$0x3] =	stream.linear.gather @!p1 [hbm4b:s18+s19], $0x80, $0x38;
	[tilespmem:$0x1B580] =	vst v63  }
0x96: {  	s17 =	sadd.s32 @!p1 s6, s17;
	s18 =	simm.s32 @!p1 $0x100  }
0x97: {  	[tilespmem:s18], [sflag:$0x3] =	stream.linear.gather @!p1 [hbm4b:s17+s19], $0x80, $0x38;
	[tilespmem:$0x1B580] =	vst v63  }
0x98: {  	s17 =	simm.s32 @!p1 $0x3  }
0x99: {  	_ =	swait.ge @!p1 [sflag:s17], $0x80  }
0x9a: {  	[sflag:s17] =	ssyncset.done @!p1 $0x0  }
0x9b: {  	[sflag:s17] =	ssyncadd.s32 @!p1 $0xFFFFFF80  }
0x9c: {  	_ =	swait.ge @!p1 [sflag:s17], $0x80  }
0x9d: {  	[sflag:s17] =	ssyncset.done @!p1 $0x0  }
0x9e: {  	s18 =	simm.s32 @!p1 $0x200;
	[sflag:s17] =	ssyncadd.s32 @!p1 $0xFFFFFF80;
	s17 =	simm.s32 @!p1 $0x50  }
0x9f: {  	[tilespmem:s18], [sflag:$0x1] =	stream.indirect.gather @!p1 [hbm4b:s1+s17], $0x80, s19, s17, $0xb8;
	[tilespmem:$0x1B580] =	vst v63  }
0xa0: {  	_ =	swait.ge [sflag:s11], $0x2800  }
0xa1: {  	[sflag:s11] =	ssyncset.done $0x0  }
0xa2: {  	[sflag:s11] =	ssyncadd.s32 $0xFFFFD800  }
0xa3: {  	[spmem:s2] =	stream.indirect.scatter.add.f32 [tilespmem:s8], [sflag:$0x5], $0x80, s12, s31, $0xb8;
	[tilespmem:$0x1B580] =	vst v63  }
0xa4: {  	v2 =	vld [tilespmem:$0x180];
	_ =	sdelay $0x7  }
0xa5: {  	[tilespmem:v2+s10+$0x0] =	vst.idx.add.f32.msk $0xffff, v1  }
0xa6: {  	v2 =	vld [tilespmem:$0x190];
	_ =	sdelay $0x7  }
0xa7: {  	[tilespmem:v2+s10+$0x0] =	vst.idx.add.f32.msk $0xffff, v1  }
0xa8: {  	v2 =	vld [tilespmem:$0x1A0];
	_ =	sdelay $0x7  }
0xa9: {  	[tilespmem:v2+s10+$0x0] =	vst.idx.add.f32.msk $0xffff, v1  }
0xaa: {  	v2 =	vld [tilespmem:$0x1B0];
	_ =	sdelay $0x7  }
0xab: {  	[tilespmem:v2+s10+$0x0] =	vst.idx.add.f32.msk $0xffff, v1  }
0xac: {  	v2 =	vld [tilespmem:$0x1C0];
	_ =	sdelay $0x6  }
.Ltmp4:
0xad: {  	_ = 	snop;
	(pc) =	sbr.rel @p1 .LBB2_8-.Ltmp4, $4  }
0xae: {  	[tilespmem:v2+s10+$0x0] =	vst.idx.add.f32.msk $0xffff, v1  }
0xaf: {  	_ =	swait.ge [sflag:s28], $0x2800  }
0xb0: {  	[sflag:s28] =	ssyncset.done $0x0  }
0xb1: {  	[sflag:s28] =	ssyncadd.s32 $0xFFFFD800  }
0xb2: {  	s17 =	sand.u32 $0x7C00, s16  }
0xb3: {  	s18 =	sand.u32 $0x380, s16;
	s17 =	sadd.s32 s15, s17  }
0xb4: {  	s17 =	sor.u32 s18, s17  }
.Ltmp5:
0xb5: {  	s17 =	sshrl.u32 s17, $0x3;
	(pc) =	sbr.rel .LBB2_6-.Ltmp5, $4  }
0xb6: {  	s19 =	sadd.s32 s5, s17  }
0xb7: {  	[tilespmem:s0], [sflag:$0x4] =	stream.linear.gather [hbm4b:s19+s4], $0x80, $0x38;
	[tilespmem:$0x1B580] =	vst v63  }
0xb8: {  	s16 =	sadd.s32 $0x100, s16;
	s17 =	sadd.s32 s6, s17  }
0xb9: {  	[tilespmem:s12], [sflag:$0x4] =	stream.linear.gather [hbm4b:s17+s4], $0x80, $0x38;
	[tilespmem:$0x1B580] =	vst v63  }
.LBB2_9:
0xba: {  	_ =	sfence.sel $0x180000  }
0xbb: {  	[bflag:$0x0] =	sbarrier.arrive $0xFFFF  }
0xbc: {  	_ =	strace $0x90000047  }
0xbd: {  	s0 =	stileid.u32;
	[bflag:$0x2] =	sbarrier.arrive $0xFFFF  }
0xbe: {  	p0 =	sne.s32 s0, $0x0;
	s0 =	rddreg [dreg:$0x3]  }
0xbf: {  	s0 =	sadd.s32 @!p0 $0x100000, s0  }
0xc0: {  	[sflag:s0] =	ssyncadd.tile.s32 @!p0 $0x1;
	_ =	shalt  }
.Lfunc_end2:
_tile_overlayer_lowered:
.L_overlay_start_2:
0xc1: {  	(tag) =	ssettag $0x2  }
0xc2: {  	s0 =	rddreg [dreg:$0x0];
	s2 =	stileid.u32  }
0xc3: {  	s1 =	rddreg [dreg:$0x1];
	p0 =	sne.s32 s2, $0x0  }
0xc4: {  	s3 =	rddreg [dreg:$0x2];
	[bflag:$0x3] =	sbarrier.arrive $0xFFFF;
	s2 =	simm.s32 @!p0 $0x1C06  }
0xc5: {  	[timem:s3], [sflag:s2] =	dma.local @!p0 [hbm:s0], s1  }
0xc6: {  	s0 =	simm.s32 @!p0 $0x6  }
0xc7: {  	_ =	swait.ge @!p0 [sflag:s0], s1  }
0xc8: {  	s1 =	ssub.s32 @!p0 $0x0, s1;
	[sflag:s0] =	ssyncset.done @!p0 $0x0  }
0xc9: {  	[sflag:s0] =	ssyncadd.s32 @!p0 s1  }
0xca: {  	[bflag:$0x3] =	sbarrier.arrive $0xFFFF  }
0xcb: {  	_ =	shalt  }

</sc_bundles>
